<compile_context>
chip_gen: v7x
topology: tpu7x:2x2x1
jax: 0.10.2.dev20260603
libtpu: 0.0.44.dev20260713+nightly
codegen_flags: <defaults>
</compile_context>

<pallas_src>
import functools

import jax
import jax.numpy as jnp
from jax import lax
from jax.experimental import pallas as pl
from jax.experimental.pallas import tpu as pltpu
from jax.experimental.pallas import tpu_sc as plsc

N = 10000
NE = 320000
D = 128
L = 16
NC = 2
NS = 16
NW = NC * NS
K = 128
EPT = 10240
CCH = EPT // K
EPAD = NW * EPT - NE
NP = 10240
SL = NP // NS
NSPLIT = 5000
NDUM = 32
AH = NSPLIT + NDUM
NPH = 10000
HSL = 632
CK = 32
GRP = 8
CH32 = EPT // CK
NG32 = CH32 // GRP
ACS = 320
RB = 200
RBH = 400

_mesh = plsc.VectorSubcoreMesh(
    core_axis_name="c", subcore_axis_name="s", num_cores=NC, num_subcores=NS)


@functools.partial(
    pl.kernel,
    out_type=[jax.ShapeDtypeStruct((NP,), jnp.float32),
              jax.ShapeDtypeStruct((NP,), jnp.float32)],
    mesh=_mesh,
    scratch_types=[
        pltpu.VMEM_SHARED((NP,), jnp.float32),
        pltpu.VMEM((CCH, K), jnp.int32),
        pltpu.VMEM((K,), jnp.float32),
    ],
)
def _deg_kernel(dst_hbm, zeros_hbm, degp0_hbm, degp1_hbm, deg_sp, idx_v,
                ones_v):
    c = lax.axis_index("c")
    s = lax.axis_index("s")
    g = c * NS + s
    pltpu.sync_copy(dst_hbm.at[g], idx_v)
    for j in range(K // L):
        ones_v[pl.ds(j * L, L)] = jnp.ones((L,), jnp.float32)

    @pl.when(s == 0)
    def _():
        pltpu.sync_copy(zeros_hbm, deg_sp)

    plsc.subcore_barrier()

    def body(i, carry):
        pltpu.sync_copy(ones_v, deg_sp.at[idx_v.at[i]], add=True)
        return carry

    lax.fori_loop(0, CCH, body, 0)
    plsc.subcore_barrier()
    sl = pl.ds(s * SL, SL)

    @pl.when(c == 0)
    def _():
        pltpu.sync_copy(deg_sp.at[sl], degp0_hbm.at[sl])

    @pl.when(c == 1)
    def _():
        pltpu.sync_copy(deg_sp.at[sl], degp1_hbm.at[sl])


@functools.partial(
    pl.kernel,
    out_type=jax.ShapeDtypeStruct((NC, AH, D), jnp.float32),
    mesh=_mesh,
    scratch_types=[
        pltpu.VMEM_SHARED((NPH, D), jnp.float32),
        pltpu.VMEM_SHARED((AH, D), jnp.float32),
        pltpu.VMEM((GRP, CK), jnp.int32),
        pltpu.VMEM((GRP, CK), jnp.int32),
        pltpu.VMEM((CK, D), jnp.float32),
        pltpu.VMEM((CK, D), jnp.float32),
        pltpu.SemaphoreType.DMA,
        pltpu.SemaphoreType.DMA,
    ],
)
def _scatter_kernel(hp_hbm, src_hbm, dst_hbm, p_hbm,
                    hsp, acc, sidx, didx, rows0, rows1, gsem0, gsem1):
    c = lax.axis_index("c")
    s = lax.axis_index("s")
    g = c * NS + s

    @pl.when(s < NS - 1)
    def _():
        pltpu.sync_copy(hp_hbm.at[pl.ds(s * HSL, HSL)],
                        hsp.at[pl.ds(s * HSL, HSL)])

    @pl.when(s == NS - 1)
    def _():
        pltpu.sync_copy(hp_hbm.at[pl.ds((NS - 1) * HSL, N - (NS - 1) * HSL)],
                        hsp.at[pl.ds((NS - 1) * HSL, N - (NS - 1) * HSL)])

    @pl.when(s < NS - 1)
    def _():
        pltpu.sync_copy(hp_hbm.at[pl.ds(c * NSPLIT + s * ACS, ACS)],
                        acc.at[pl.ds(s * ACS, ACS)])

    @pl.when(s == NS - 1)
    def _():
        pltpu.sync_copy(
            hp_hbm.at[pl.ds(c * NSPLIT + (NS - 1) * ACS,
                            NSPLIT - (NS - 1) * ACS)],
            acc.at[pl.ds((NS - 1) * ACS, NSPLIT - (NS - 1) * ACS)])

    plsc.subcore_barrier()

    def wait0():
        pltpu.make_async_copy(hsp.at[sidx.at[0]], rows0, gsem0).wait()

    def wait1():
        pltpu.make_async_copy(hsp.at[sidx.at[1]], rows1, gsem1).wait()

    for ri in range(2):
        g2 = ri * NS + s

        def grp_body(gq, carry, g2=g2):
            pltpu.sync_copy(src_hbm.at[g2, pl.ds(gq * GRP, GRP)], sidx)
            pltpu.sync_copy(dst_hbm.at[c * NW + g2, pl.ds(gq * GRP, GRP)],
                            didx)
            pltpu.async_copy(hsp.at[sidx.at[0]], rows0, gsem0)
            pltpu.async_copy(hsp.at[sidx.at[1]], rows1, gsem1)
            for jj in range(GRP):
                if jj % 2 == 0:
                    wait0()
                    pltpu.sync_copy(rows0, acc.at[didx.at[jj]], add=True)
                    if jj + 2 < GRP:
                        pltpu.async_copy(hsp.at[sidx.at[jj + 2]], rows0, gsem0)
                else:
                    wait1()
                    pltpu.sync_copy(rows1, acc.at[didx.at[jj]], add=True)
                    if jj + 2 < GRP:
                        pltpu.async_copy(hsp.at[sidx.at[jj + 2]], rows1, gsem1)
            return carry

        lax.fori_loop(0, NG32, grp_body, 0)

    plsc.subcore_barrier()

    @pl.when(s < NS - 1)
    def _():
        pltpu.sync_copy(acc.at[pl.ds(s * ACS, ACS)],
                        p_hbm.at[c, pl.ds(s * ACS, ACS), :])

    @pl.when(s == NS - 1)
    def _():
        pltpu.sync_copy(
            acc.at[pl.ds((NS - 1) * ACS, AH - (NS - 1) * ACS)],
            p_hbm.at[c, pl.ds((NS - 1) * ACS, AH - (NS - 1) * ACS), :])


def _h_body(dp0_ref, dp1_ref, x_ref, w_ref, b_ref, o_ref):
    deg = dp0_ref[...] + dp1_ref[...] + 1.0
    dinv = lax.rsqrt(deg)
    h = jnp.dot(x_ref[...], w_ref[...],
                preferred_element_type=jnp.float32) + b_ref[0, :][None, :]
    o_ref[...] = h * dinv


def _out_body(dp0_ref, dp1_ref, p_ref, o_ref):
    deg = dp0_ref[...] + dp1_ref[...] + 1.0
    dinv = lax.rsqrt(deg)
    hi = pl.program_id(0) >= (NSPLIT // RB)
    sel = jnp.where(hi, p_ref[1], p_ref[0])
    o_ref[...] = sel * dinv


def kernel(V, E, X, W, b):
    src = E[0].astype(jnp.int32)
    dst = E[1].astype(jnp.int32)
    srcf = jnp.concatenate([src, jnp.zeros((EPAD,), jnp.int32)])
    dstf = jnp.concatenate([dst, jnp.full((EPAD,), N, jnp.int32)])
    rot = jnp.arange(NW * EPT, dtype=jnp.int32) % NDUM
    dstA = jnp.where(dstf < NSPLIT, dstf, NSPLIT + rot)
    dstB0 = dstf - NSPLIT
    dstB = jnp.where(dstf >= NSPLIT, jnp.minimum(dstB0, AH - 1), NSPLIT + rot)
    srcp = srcf.reshape(NW, CH32, CK)
    dstp2 = jnp.stack([dstA, dstB]).reshape(NC * NW, CH32, CK)
    dsthist = jnp.concatenate(
        [dst, N + (jnp.arange(EPAD, dtype=jnp.int32) % (NP - N))]
    ).reshape(NW, CCH, K)
    zeros_np = jnp.zeros((NP,), jnp.float32)
    b2 = b.reshape(1, D).astype(jnp.float32)

    dp0, dp1 = _deg_kernel(dsthist, zeros_np)
    dc0 = dp0[:N, None]
    dc1 = dp1[:N, None]

    hp = pl.pallas_call(
        _h_body,
        grid=(N // RBH,),
        in_specs=[
            pl.BlockSpec((RBH, 1), lambda i: (i, 0)),
            pl.BlockSpec((RBH, 1), lambda i: (i, 0)),
            pl.BlockSpec((RBH, D), lambda i: (i, 0)),
            pl.BlockSpec((D, D), lambda i: (0, 0)),
            pl.BlockSpec((1, D), lambda i: (0, 0)),
        ],
        out_specs=pl.BlockSpec((RBH, D), lambda i: (i, 0)),
        out_shape=jax.ShapeDtypeStruct((N, D), jnp.float32),
    )(dc0, dc1, X.astype(jnp.float32), W.astype(jnp.float32), b2)

    p = _scatter_kernel(hp, srcp, dstp2)

    nb0 = NSPLIT // RB

    out = pl.pallas_call(
        _out_body,
        grid=(N // RB,),
        in_specs=[
            pl.BlockSpec((RB, 1), lambda i: (i, 0)),
            pl.BlockSpec((RB, 1), lambda i: (i, 0)),
            pl.BlockSpec(
                (NC, RB, D),
                lambda i: (0, jnp.where(i < nb0, i, i - nb0), 0)),
        ],
        out_specs=pl.BlockSpec((RB, D), lambda i: (i, 0)),
        out_shape=jax.ShapeDtypeStruct((N, D), jnp.float32),
    )(dc0, dc1, p)
    return out

# --- scband reference (transcript-rebuilt; emitter-appended) ---
"""Pipeline reference for scband-cat-gnn-gcn-3-forwards-36850819399915 (READ-ONLY COPY).

The authoritative reference and input builder live on the scoring server;
editing this copy changes nothing except your own understanding.
"""

import jax, jax.numpy as jnp
import numpy as np

N_NODES = 10000
N_EDGES = 320000
D_IN = 128
D_OUT = 128

def setup_inputs(seed: int = 0) -> dict:
    key = jax.random.key(seed)
    k1, k2, k3, k4 = jax.random.split(key, 4)
    V = jnp.arange(N_NODES, dtype=jnp.int64)
    E = jax.random.randint(k1, (2, N_EDGES), 0, N_NODES, dtype=jnp.int64)
    X = jax.random.normal(k2, (N_NODES, D_IN), dtype=jnp.float32)
    # learned parameters of the GCN layer (linear transform + bias)
    W = jax.random.normal(k3, (D_IN, D_OUT), dtype=jnp.float32) * (1.0 / np.sqrt(D_IN))
    b = jnp.zeros((D_OUT,), dtype=jnp.float32)
    return {"V": V, "E": E, "X": X, "W": W, "b": b}

def reference(V, E, X, W, b):
    # GCN layer (MPNN formulation): add self-loops, symmetric degree
    # normalization, linear transform, gather messages along src,
    # scatter-add (segment_sum) into dst nodes.
    N = V.shape[0]
    src = E[0]
    dst = E[1]
    loop = jnp.arange(N, dtype=src.dtype)
    src = jnp.concatenate([src, loop], axis=0)
    dst = jnp.concatenate([dst, loop], axis=0)
    deg = jnp.zeros((N,), dtype=jnp.float32).at[dst].add(1.0)
    dinv = 1.0 / jnp.sqrt(jnp.clip(deg, 1.0))
    h = X @ W + b
    norm = dinv[src] * dinv[dst]
    msg = jnp.take(h, src, axis=0) * norm[:, None]
    out = jax.ops.segment_sum(msg, dst, num_segments=N)
    return out

if __name__ == "__main__":
    import jax
    _d = setup_inputs()
    print(jax.jit(kernel)(*tuple(_d.values())))

</pallas_src>

<mosaic_0001>
#map = affine_map<(d0, d1) -> (0, 0)>
#map1 = affine_map<(d0, d1) -> (0, 0, 0)>
module attributes {stable_mosaic.version = 14 : i64} {
  func.func @_scatter_kernel(%arg0: i32, %arg1: i32, %arg2: memref<10000x128xf32, #tpu.memory_space<hbm>>, %arg3: memref<32x320x32xi32, #tpu.memory_space<hbm>>, %arg4: memref<64x320x32xi32, #tpu.memory_space<hbm>>, %arg5: memref<2x5032x128xf32, #tpu.memory_space<hbm>>, %arg6: memref<10000x128xf32, #tpu.memory_space<vmem_shared>>, %arg7: memref<5032x128xf32, #tpu.memory_space<vmem_shared>>, %arg8: memref<8x32xi32, #tpu.memory_space<vmem>>, %arg9: memref<8x32xi32, #tpu.memory_space<vmem>>, %arg10: memref<32x128xf32, #tpu.memory_space<vmem>>, %arg11: memref<32x128xf32, #tpu.memory_space<vmem>>, %arg12: memref<!tpu.dma_semaphore, #tpu.memory_space<semaphore_mem>>, %arg13: memref<!tpu.dma_semaphore, #tpu.memory_space<semaphore_mem>>) attributes {dimension_semantics = [#tpu.dimension_semantics<core_parallel>, #tpu.dimension_semantics<subcore_parallel>], iteration_bounds = array<i64: 2, 16>, scalar_prefetch = 0 : i64, scratch_operands = 8 : i64, tpu.core_type = #tpu.core_type<sc_vector_subcore>, window_params = [{transform_indices = #map}, {transform_indices = #map1}, {transform_indices = #map1}, {transform_indices = #map1}]} {
    %mul3A = arith.constant 16 : i32
    %mul3A_0 = arith.muli %arg0, %mul3A : i32
    %add3A = arith.addi %mul3A_0, %arg1 : i32
    %lt3A = arith.constant 15 : i32
    %lt3A_1 = arith.cmpi slt, %arg1, %lt3A : i32
    %convert_element_type3A = arith.extui %lt3A_1 : i1 to i32
    %cond3A = arith.constant 0 : i32
    %cond3A_2 = arith.cmpi ne, %convert_element_type3A, %cond3A : i32
    scf.if %cond3A_2 {
      %mul3A_43 = arith.constant 632 : i32
      %mul3A_44 = arith.muli %arg1, %mul3A_43 : i32
      %mul3A_45 = arith.constant 632 : i32
      %mul3A_46 = arith.muli %arg1, %mul3A_45 : i32
      "tpu.region"() ({
        %run_scoped3A = tpu.sem_alloc : memref<!tpu.dma_semaphore, #tpu.memory_space<semaphore_mem>>
        %dma_start3A = arith.constant 0 : i32
        %dma_start3A_47 = tpu.memref_slice %arg6[%mul3A_46, %dma_start3A] : memref<10000x128xf32, #tpu.memory_space<vmem_shared>> -> memref<632x128xf32, #tpu.memory_space<vmem_shared>>
        %dma_start3A_48 = arith.constant 0 : i32
        %dma_start3A_49 = tpu.memref_slice %arg2[%mul3A_44, %dma_start3A_48] : memref<10000x128xf32, #tpu.memory_space<hbm>> -> memref<632x128xf32, #tpu.memory_space<hbm>>
        tpu.enqueue_dma source(%dma_start3A_49 : memref<632x128xf32, #tpu.memory_space<hbm>>) target(%dma_start3A_47 : memref<632x128xf32, #tpu.memory_space<vmem_shared>>) target_semaphore(%run_scoped3A : memref<!tpu.dma_semaphore, #tpu.memory_space<semaphore_mem>>)
        %dma_wait3A = arith.constant 0 : i32
        %dma_wait3A_50 = tpu.memref_slice %arg6[%mul3A_46, %dma_wait3A] : memref<10000x128xf32, #tpu.memory_space<vmem_shared>> -> memref<632x128xf32, #tpu.memory_space<vmem_shared>>
        %dma_wait3A_51 = arith.constant 0 : i32
        %dma_wait3A_52 = tpu.memref_slice %arg2[%mul3A_44, %dma_wait3A_51] : memref<10000x128xf32, #tpu.memory_space<hbm>> -> memref<632x128xf32, #tpu.memory_space<hbm>>
        tpu.wait_dma2 semaphore(%run_scoped3A : memref<!tpu.dma_semaphore, #tpu.memory_space<semaphore_mem>>) src(%dma_wait3A_52 : memref<632x128xf32, #tpu.memory_space<hbm>>) dst(%dma_wait3A_50 : memref<632x128xf32, #tpu.memory_space<vmem_shared>>)
        tpu.yield
      }) : () -> ()
    } else {
    }
    %eq3A = arith.constant 15 : i32
    %eq3A_3 = arith.cmpi eq, %arg1, %eq3A : i32
    %convert_element_type3A_4 = arith.extui %eq3A_3 : i1 to i32
    %cond3A_5 = arith.constant 0 : i32
    %cond3A_6 = arith.cmpi ne, %convert_element_type3A_4, %cond3A_5 : i32
    scf.if %cond3A_6 {
      "tpu.region"() ({
        %run_scoped3A = tpu.sem_alloc : memref<!tpu.dma_semaphore, #tpu.memory_space<semaphore_mem>>
        %dma_start3A = arith.constant 9480 : i32
        %dma_start3A_43 = arith.constant 0 : i32
        %dma_start3A_44 = tpu.memref_slice %arg6[%dma_start3A, %dma_start3A_43] : memref<10000x128xf32, #tpu.memory_space<vmem_shared>> -> memref<520x128xf32, #tpu.memory_space<vmem_shared>>
        %dma_start3A_45 = arith.constant 9480 : i32
        %dma_start3A_46 = arith.constant 0 : i32
        %dma_start3A_47 = tpu.memref_slice %arg2[%dma_start3A_45, %dma_start3A_46] : memref<10000x128xf32, #tpu.memory_space<hbm>> -> memref<520x128xf32, #tpu.memory_space<hbm>>
        tpu.enqueue_dma source(%dma_start3A_47 : memref<520x128xf32, #tpu.memory_space<hbm>>) target(%dma_start3A_44 : memref<520x128xf32, #tpu.memory_space<vmem_shared>>) target_semaphore(%run_scoped3A : memref<!tpu.dma_semaphore, #tpu.memory_space<semaphore_mem>>)
        %dma_wait3A = arith.constant 9480 : i32
        %dma_wait3A_48 = arith.constant 0 : i32
        %dma_wait3A_49 = tpu.memref_slice %arg6[%dma_wait3A, %dma_wait3A_48] : memref<10000x128xf32, #tpu.memory_space<vmem_shared>> -> memref<520x128xf32, #tpu.memory_space<vmem_shared>>
        %dma_wait3A_50 = arith.constant 9480 : i32
        %dma_wait3A_51 = arith.constant 0 : i32
        %dma_wait3A_52 = tpu.memref_slice %arg2[%dma_wait3A_50, %dma_wait3A_51] : memref<10000x128xf32, #tpu.memory_space<hbm>> -> memref<520x128xf32, #tpu.memory_space<hbm>>
        tpu.wait_dma2 semaphore(%run_scoped3A : memref<!tpu.dma_semaphore, #tpu.memory_space<semaphore_mem>>) src(%dma_wait3A_52 : memref<520x128xf32, #tpu.memory_space<hbm>>) dst(%dma_wait3A_49 : memref<520x128xf32, #tpu.memory_space<vmem_shared>>)
        tpu.yield
      }) : () -> ()
    } else {
    }
    %lt3A_7 = arith.constant 15 : i32
    %lt3A_8 = arith.cmpi slt, %arg1, %lt3A_7 : i32
    %convert_element_type3A_9 = arith.extui %lt3A_8 : i1 to i32
    %cond3A_10 = arith.constant 0 : i32
    %cond3A_11 = arith.cmpi ne, %convert_element_type3A_9, %cond3A_10 : i32
    scf.if %cond3A_11 {
      %mul3A_43 = arith.constant 5000 : i32
      %mul3A_44 = arith.muli %arg0, %mul3A_43 : i32
      %mul3A_45 = arith.constant 320 : i32
      %mul3A_46 = arith.muli %arg1, %mul3A_45 : i32
      %add3A_47 = arith.addi %mul3A_44, %mul3A_46 : i32
      %mul3A_48 = arith.constant 320 : i32
      %mul3A_49 = arith.muli %arg1, %mul3A_48 : i32
      "tpu.region"() ({
        %run_scoped3A = tpu.sem_alloc : memref<!tpu.dma_semaphore, #tpu.memory_space<semaphore_mem>>
        %dma_start3A = arith.constant 0 : i32
        %dma_start3A_50 = tpu.memref_slice %arg7[%mul3A_49, %dma_start3A] : memref<5032x128xf32, #tpu.memory_space<vmem_shared>> -> memref<320x128xf32, #tpu.memory_space<vmem_shared>>
        %dma_start3A_51 = arith.constant 0 : i32
        %dma_start3A_52 = tpu.memref_slice %arg2[%add3A_47, %dma_start3A_51] : memref<10000x128xf32, #tpu.memory_space<hbm>> -> memref<320x128xf32, #tpu.memory_space<hbm>>
        tpu.enqueue_dma source(%dma_start3A_52 : memref<320x128xf32, #tpu.memory_space<hbm>>) target(%dma_start3A_50 : memref<320x128xf32, #tpu.memory_space<vmem_shared>>) target_semaphore(%run_scoped3A : memref<!tpu.dma_semaphore, #tpu.memory_space<semaphore_mem>>)
        %dma_wait3A = arith.constant 0 : i32
        %dma_wait3A_53 = tpu.memref_slice %arg7[%mul3A_49, %dma_wait3A] : memref<5032x128xf32, #tpu.memory_space<vmem_shared>> -> memref<320x128xf32, #tpu.memory_space<vmem_shared>>
        %dma_wait3A_54 = arith.constant 0 : i32
        %dma_wait3A_55 = tpu.memref_slice %arg2[%add3A_47, %dma_wait3A_54] : memref<10000x128xf32, #tpu.memory_space<hbm>> -> memref<320x128xf32, #tpu.memory_space<hbm>>
        tpu.wait_dma2 semaphore(%run_scoped3A : memref<!tpu.dma_semaphore, #tpu.memory_space<semaphore_mem>>) src(%dma_wait3A_55 : memref<320x128xf32, #tpu.memory_space<hbm>>) dst(%dma_wait3A_53 : memref<320x128xf32, #tpu.memory_space<vmem_shared>>)
        tpu.yield
      }) : () -> ()
    } else {
    }
    %eq3A_12 = arith.constant 15 : i32
    %eq3A_13 = arith.cmpi eq, %arg1, %eq3A_12 : i32
    %convert_element_type3A_14 = arith.extui %eq3A_13 : i1 to i32
    %cond3A_15 = arith.constant 0 : i32
    %cond3A_16 = arith.cmpi ne, %convert_element_type3A_14, %cond3A_15 : i32
    scf.if %cond3A_16 {
      %mul3A_43 = arith.constant 5000 : i32
      %mul3A_44 = arith.muli %arg0, %mul3A_43 : i32
      %add3A_45 = arith.constant 4800 : i32
      %add3A_46 = arith.addi %mul3A_44, %add3A_45 : i32
      "tpu.region"() ({
        %run_scoped3A = tpu.sem_alloc : memref<!tpu.dma_semaphore, #tpu.memory_space<semaphore_mem>>
        %dma_start3A = arith.constant 4800 : i32
        %dma_start3A_47 = arith.constant 0 : i32
        %dma_start3A_48 = tpu.memref_slice %arg7[%dma_start3A, %dma_start3A_47] : memref<5032x128xf32, #tpu.memory_space<vmem_shared>> -> memref<200x128xf32, #tpu.memory_space<vmem_shared>>
        %dma_start3A_49 = arith.constant 0 : i32
        %dma_start3A_50 = tpu.memref_slice %arg2[%add3A_46, %dma_start3A_49] : memref<10000x128xf32, #tpu.memory_space<hbm>> -> memref<200x128xf32, #tpu.memory_space<hbm>>
        tpu.enqueue_dma source(%dma_start3A_50 : memref<200x128xf32, #tpu.memory_space<hbm>>) target(%dma_start3A_48 : memref<200x128xf32, #tpu.memory_space<vmem_shared>>) target_semaphore(%run_scoped3A : memref<!tpu.dma_semaphore, #tpu.memory_space<semaphore_mem>>)
        %dma_wait3A = arith.constant 4800 : i32
        %dma_wait3A_51 = arith.constant 0 : i32
        %dma_wait3A_52 = tpu.memref_slice %arg7[%dma_wait3A, %dma_wait3A_51] : memref<5032x128xf32, #tpu.memory_space<vmem_shared>> -> memref<200x128xf32, #tpu.memory_space<vmem_shared>>
        %dma_wait3A_53 = arith.constant 0 : i32
        %dma_wait3A_54 = tpu.memref_slice %arg2[%add3A_46, %dma_wait3A_53] : memref<10000x128xf32, #tpu.memory_space<hbm>> -> memref<200x128xf32, #tpu.memory_space<hbm>>
        tpu.wait_dma2 semaphore(%run_scoped3A : memref<!tpu.dma_semaphore, #tpu.memory_space<semaphore_mem>>) src(%dma_wait3A_54 : memref<200x128xf32, #tpu.memory_space<hbm>>) dst(%dma_wait3A_52 : memref<200x128xf32, #tpu.memory_space<vmem_shared>>)
        tpu.yield
      }) : () -> ()
    } else {
    }
    %barrier3A = arith.constant 0 : index
    tpu.barrier barrier_id(%barrier3A)
    %add3A_17 = arith.constant 0 : i32
    %add3A_18 = arith.addi %add3A_17, %arg1 : i32
    %scan3A = arith.constant 0 : i32
    %scan3A_19 = arith.constant 0 : i32
    %scan3A_20 = arith.constant 40 : i32
    %scan3A_21 = arith.addi %scan3A_19, %scan3A_20 : i32
    %scan3A_22 = arith.constant 1 : i32
    scf.for %scan3A_43 = %scan3A_19 to %scan3A_21 step %scan3A_22  : i32 {
      %mul3A_44 = arith.constant 8 : i32
      %mul3A_45 = arith.muli %scan3A_43, %mul3A_44 : i32
      "tpu.region"() ({
        %run_scoped3A_168 = tpu.sem_alloc : memref<!tpu.dma_semaphore, #tpu.memory_space<semaphore_mem>>
        %dma_start3A_169 = arith.constant 0 : i32
        %dma_start3A_170 = tpu.memref_slice %arg3[%add3A_18, %mul3A_45, %dma_start3A_169] : memref<32x320x32xi32, #tpu.memory_space<hbm>> -> memref<1x8x32xi32, #tpu.memory_space<hbm>>
        %dma_start3A_171 = tpu.memref_squeeze %dma_start3A_170 : memref<1x8x32xi32, #tpu.memory_space<hbm>> -> memref<8x32xi32, #tpu.memory_space<hbm>>
        %dma_start3A_172 = arith.constant 0 : i32
        %dma_start3A_173 = tpu.memref_slice %arg3[%add3A_18, %mul3A_45, %dma_start3A_172] : memref<32x320x32xi32, #tpu.memory_space<hbm>> -> memref<1x8x32xi32, #tpu.memory_space<hbm>>
        %dma_start3A_174 = tpu.memref_squeeze %dma_start3A_173 : memref<1x8x32xi32, #tpu.memory_space<hbm>> -> memref<8x32xi32, #tpu.memory_space<hbm>>
        tpu.enqueue_dma source(%dma_start3A_174 : memref<8x32xi32, #tpu.memory_space<hbm>>) target(%arg8 : memref<8x32xi32, #tpu.memory_space<vmem>>) target_semaphore(%run_scoped3A_168 : memref<!tpu.dma_semaphore, #tpu.memory_space<semaphore_mem>>)
        %dma_wait3A_175 = arith.constant 0 : i32
        %dma_wait3A_176 = tpu.memref_slice %arg3[%add3A_18, %mul3A_45, %dma_wait3A_175] : memref<32x320x32xi32, #tpu.memory_space<hbm>> -> memref<1x8x32xi32, #tpu.memory_space<hbm>>
        %dma_wait3A_177 = tpu.memref_squeeze %dma_wait3A_176 : memref<1x8x32xi32, #tpu.memory_space<hbm>> -> memref<8x32xi32, #tpu.memory_space<hbm>>
        %dma_wait3A_178 = arith.constant 0 : i32
        %dma_wait3A_179 = tpu.memref_slice %arg3[%add3A_18, %mul3A_45, %dma_wait3A_178] : memref<32x320x32xi32, #tpu.memory_space<hbm>> -> memref<1x8x32xi32, #tpu.memory_space<hbm>>
        %dma_wait3A_180 = tpu.memref_squeeze %dma_wait3A_179 : memref<1x8x32xi32, #tpu.memory_space<hbm>> -> memref<8x32xi32, #tpu.memory_space<hbm>>
        tpu.wait_dma2 semaphore(%run_scoped3A_168 : memref<!tpu.dma_semaphore, #tpu.memory_space<semaphore_mem>>) src(%dma_wait3A_180 : memref<8x32xi32, #tpu.memory_space<hbm>>) dst(%arg8 : memref<8x32xi32, #tpu.memory_space<vmem>>)
        tpu.yield
      }) : () -> ()
      %mul3A_46 = arith.constant 32 : i32
      %mul3A_47 = arith.muli %arg0, %mul3A_46 : i32
      %add3A_48 = arith.addi %mul3A_47, %add3A_18 : i32
      %mul3A_49 = arith.constant 8 : i32
      %mul3A_50 = arith.muli %scan3A_43, %mul3A_49 : i32
      "tpu.region"() ({
        %run_scoped3A_168 = tpu.sem_alloc : memref<!tpu.dma_semaphore, #tpu.memory_space<semaphore_mem>>
        %dma_start3A_169 = arith.constant 0 : i32
        %dma_start3A_170 = tpu.memref_slice %arg4[%add3A_48, %mul3A_50, %dma_start3A_169] : memref<64x320x32xi32, #tpu.memory_space<hbm>> -> memref<1x8x32xi32, #tpu.memory_space<hbm>>
        %dma_start3A_171 = tpu.memref_squeeze %dma_start3A_170 : memref<1x8x32xi32, #tpu.memory_space<hbm>> -> memref<8x32xi32, #tpu.memory_space<hbm>>
        %dma_start3A_172 = arith.constant 0 : i32
        %dma_start3A_173 = tpu.memref_slice %arg4[%add3A_48, %mul3A_50, %dma_start3A_172] : memref<64x320x32xi32, #tpu.memory_space<hbm>> -> memref<1x8x32xi32, #tpu.memory_space<hbm>>
        %dma_start3A_174 = tpu.memref_squeeze %dma_start3A_173 : memref<1x8x32xi32, #tpu.memory_space<hbm>> -> memref<8x32xi32, #tpu.memory_space<hbm>>
        tpu.enqueue_dma source(%dma_start3A_174 : memref<8x32xi32, #tpu.memory_space<hbm>>) target(%arg9 : memref<8x32xi32, #tpu.memory_space<vmem>>) target_semaphore(%run_scoped3A_168 : memref<!tpu.dma_semaphore, #tpu.memory_space<semaphore_mem>>)
        %dma_wait3A_175 = arith.constant 0 : i32
        %dma_wait3A_176 = tpu.memref_slice %arg4[%add3A_48, %mul3A_50, %dma_wait3A_175] : memref<64x320x32xi32, #tpu.memory_space<hbm>> -> memref<1x8x32xi32, #tpu.memory_space<hbm>>
        %dma_wait3A_177 = tpu.memref_squeeze %dma_wait3A_176 : memref<1x8x32xi32, #tpu.memory_space<hbm>> -> memref<8x32xi32, #tpu.memory_space<hbm>>
        %dma_wait3A_178 = arith.constant 0 : i32
        %dma_wait3A_179 = tpu.memref_slice %arg4[%add3A_48, %mul3A_50, %dma_wait3A_178] : memref<64x320x32xi32, #tpu.memory_space<hbm>> -> memref<1x8x32xi32, #tpu.memory_space<hbm>>
        %dma_wait3A_180 = tpu.memref_squeeze %dma_wait3A_179 : memref<1x8x32xi32, #tpu.memory_space<hbm>> -> memref<8x32xi32, #tpu.memory_space<hbm>>
        tpu.wait_dma2 semaphore(%run_scoped3A_168 : memref<!tpu.dma_semaphore, #tpu.memory_space<semaphore_mem>>) src(%dma_wait3A_180 : memref<8x32xi32, #tpu.memory_space<hbm>>) dst(%arg9 : memref<8x32xi32, #tpu.memory_space<vmem>>)
        tpu.yield
      }) : () -> ()
      %dma_start3A = arith.constant 0 : i32
      %dma_start3A_51 = arith.constant 0 : i32
      %dma_start3A_52 = tpu.memref_slice %arg8[%dma_start3A, %dma_start3A_51] : memref<8x32xi32, #tpu.memory_space<vmem>> -> memref<1x32xi32, #tpu.memory_space<vmem>>
      %dma_start3A_53 = tpu.memref_squeeze %dma_start3A_52 : memref<1x32xi32, #tpu.memory_space<vmem>> -> memref<32xi32, #tpu.memory_space<vmem>>
      %dma_start3A_54 = arith.constant 0 : i32
      %dma_start3A_55 = arith.constant 0 : i32
      %dma_start3A_56 = tpu.memref_slice %arg6[%dma_start3A_54, %dma_start3A_55] : memref<10000x128xf32, #tpu.memory_space<vmem_shared>> -> memref<10000x128xf32, #tpu.memory_space<vmem_shared>>
      tpu.enqueue_indirect_dma source(%dma_start3A_56 : memref<10000x128xf32, #tpu.memory_space<vmem_shared>>) target(%arg10 : memref<32x128xf32, #tpu.memory_space<vmem>>) offsets(%dma_start3A_53 : memref<32xi32, #tpu.memory_space<vmem>>) semaphore(%arg12 : memref<!tpu.dma_semaphore, #tpu.memory_space<semaphore_mem>>)
      %dma_start3A_57 = arith.constant 1 : i32
      %dma_start3A_58 = arith.constant 0 : i32
      %dma_start3A_59 = tpu.memref_slice %arg8[%dma_start3A_57, %dma_start3A_58] : memref<8x32xi32, #tpu.memory_space<vmem>> -> memref<1x32xi32, #tpu.memory_space<vmem>>
      %dma_start3A_60 = tpu.memref_squeeze %dma_start3A_59 : memref<1x32xi32, #tpu.memory_space<vmem>> -> memref<32xi32, #tpu.memory_space<vmem>>
      %dma_start3A_61 = arith.constant 0 : i32
      %dma_start3A_62 = arith.constant 0 : i32
      %dma_start3A_63 = tpu.memref_slice %arg6[%dma_start3A_61, %dma_start3A_62] : memref<10000x128xf32, #tpu.memory_space<vmem_shared>> -> memref<10000x128xf32, #tpu.memory_space<vmem_shared>>
      tpu.enqueue_indirect_dma source(%dma_start3A_63 : memref<10000x128xf32, #tpu.memory_space<vmem_shared>>) target(%arg11 : memref<32x128xf32, #tpu.memory_space<vmem>>) offsets(%dma_start3A_60 : memref<32xi32, #tpu.memory_space<vmem>>) semaphore(%arg13 : memref<!tpu.dma_semaphore, #tpu.memory_space<semaphore_mem>>)
      %dma_wait3A = arith.constant 0 : i32
      %dma_wait3A_64 = arith.constant 0 : i32
      %dma_wait3A_65 = tpu.memref_slice %arg8[%dma_wait3A, %dma_wait3A_64] : memref<8x32xi32, #tpu.memory_space<vmem>> -> memref<1x32xi32, #tpu.memory_space<vmem>>
      %dma_wait3A_66 = tpu.memref_squeeze %dma_wait3A_65 : memref<1x32xi32, #tpu.memory_space<vmem>> -> memref<32xi32, #tpu.memory_space<vmem>>
      %dma_wait3A_67 = arith.constant 0 : i32
      %dma_wait3A_68 = arith.constant 0 : i32
      %dma_wait3A_69 = tpu.memref_slice %arg6[%dma_wait3A_67, %dma_wait3A_68] : memref<10000x128xf32, #tpu.memory_space<vmem_shared>> -> memref<10000x128xf32, #tpu.memory_space<vmem_shared>>
      tpu.wait_indirect_dma semaphore(%arg12 : memref<!tpu.dma_semaphore, #tpu.memory_space<semaphore_mem>>) src(%dma_wait3A_69 : memref<10000x128xf32, #tpu.memory_space<vmem_shared>>) dst(%arg10 : memref<32x128xf32, #tpu.memory_space<vmem>>)
      %run_scoped3A = arith.constant 0 : i32
      "tpu.region"() ({
        %run_scoped3A_168 = tpu.sem_alloc : memref<!tpu.dma_semaphore, #tpu.memory_space<semaphore_mem>>
        %dma_start3A_169 = arith.constant 0 : i32
        %dma_start3A_170 = tpu.memref_slice %arg9[%run_scoped3A, %dma_start3A_169] : memref<8x32xi32, #tpu.memory_space<vmem>> -> memref<1x32xi32, #tpu.memory_space<vmem>>
        %dma_start3A_171 = tpu.memref_squeeze %dma_start3A_170 : memref<1x32xi32, #tpu.memory_space<vmem>> -> memref<32xi32, #tpu.memory_space<vmem>>
        %dma_start3A_172 = arith.constant 0 : i32
        %dma_start3A_173 = arith.constant 0 : i32
        %dma_start3A_174 = tpu.memref_slice %arg7[%dma_start3A_172, %dma_start3A_173] : memref<5032x128xf32, #tpu.memory_space<vmem_shared>> -> memref<5032x128xf32, #tpu.memory_space<vmem_shared>>
        tpu.enqueue_indirect_dma source(%arg10 : memref<32x128xf32, #tpu.memory_space<vmem>>) target(%dma_start3A_174 : memref<5032x128xf32, #tpu.memory_space<vmem_shared>>) offsets(%dma_start3A_171 : memref<32xi32, #tpu.memory_space<vmem>>) semaphore(%run_scoped3A_168 : memref<!tpu.dma_semaphore, #tpu.memory_space<semaphore_mem>>) {add = true}
        %dma_wait3A_175 = arith.constant 0 : i32
        %dma_wait3A_176 = tpu.memref_slice %arg9[%run_scoped3A, %dma_wait3A_175] : memref<8x32xi32, #tpu.memory_space<vmem>> -> memref<1x32xi32, #tpu.memory_space<vmem>>
        %dma_wait3A_177 = tpu.memref_squeeze %dma_wait3A_176 : memref<1x32xi32, #tpu.memory_space<vmem>> -> memref<32xi32, #tpu.memory_space<vmem>>
        %dma_wait3A_178 = arith.constant 0 : i32
        %dma_wait3A_179 = arith.constant 0 : i32
        %dma_wait3A_180 = tpu.memref_slice %arg7[%dma_wait3A_178, %dma_wait3A_179] : memref<5032x128xf32, #tpu.memory_space<vmem_shared>> -> memref<5032x128xf32, #tpu.memory_space<vmem_shared>>
        tpu.wait_indirect_dma semaphore(%run_scoped3A_168 : memref<!tpu.dma_semaphore, #tpu.memory_space<semaphore_mem>>) src(%arg10 : memref<32x128xf32, #tpu.memory_space<vmem>>) dst(%dma_wait3A_180 : memref<5032x128xf32, #tpu.memory_space<vmem_shared>>)
        tpu.yield
      }) : () -> ()
      %dma_start3A_70 = arith.constant 2 : i32
      %dma_start3A_71 = arith.constant 0 : i32
      %dma_start3A_72 = tpu.memref_slice %arg8[%dma_start3A_70, %dma_start3A_71] : memref<8x32xi32, #tpu.memory_space<vmem>> -> memref<1x32xi32, #tpu.memory_space<vmem>>
      %dma_start3A_73 = tpu.memref_squeeze %dma_start3A_72 : memref<1x32xi32, #tpu.memory_space<vmem>> -> memref<32xi32, #tpu.memory_space<vmem>>
      %dma_start3A_74 = arith.constant 0 : i32
      %dma_start3A_75 = arith.constant 0 : i32
      %dma_start3A_76 = tpu.memref_slice %arg6[%dma_start3A_74, %dma_start3A_75] : memref<10000x128xf32, #tpu.memory_space<vmem_shared>> -> memref<10000x128xf32, #tpu.memory_space<vmem_shared>>
      tpu.enqueue_indirect_dma source(%dma_start3A_76 : memref<10000x128xf32, #tpu.memory_space<vmem_shared>>) target(%arg10 : memref<32x128xf32, #tpu.memory_space<vmem>>) offsets(%dma_start3A_73 : memref<32xi32, #tpu.memory_space<vmem>>) semaphore(%arg12 : memref<!tpu.dma_semaphore, #tpu.memory_space<semaphore_mem>>)
      %dma_wait3A_77 = arith.constant 1 : i32
      %dma_wait3A_78 = arith.constant 0 : i32
      %dma_wait3A_79 = tpu.memref_slice %arg8[%dma_wait3A_77, %dma_wait3A_78] : memref<8x32xi32, #tpu.memory_space<vmem>> -> memref<1x32xi32, #tpu.memory_space<vmem>>
      %dma_wait3A_80 = tpu.memref_squeeze %dma_wait3A_79 : memref<1x32xi32, #tpu.memory_space<vmem>> -> memref<32xi32, #tpu.memory_space<vmem>>
      %dma_wait3A_81 = arith.constant 0 : i32
      %dma_wait3A_82 = arith.constant 0 : i32
      %dma_wait3A_83 = tpu.memref_slice %arg6[%dma_wait3A_81, %dma_wait3A_82] : memref<10000x128xf32, #tpu.memory_space<vmem_shared>> -> memref<10000x128xf32, #tpu.memory_space<vmem_shared>>
      tpu.wait_indirect_dma semaphore(%arg13 : memref<!tpu.dma_semaphore, #tpu.memory_space<semaphore_mem>>) src(%dma_wait3A_83 : memref<10000x128xf32, #tpu.memory_space<vmem_shared>>) dst(%arg11 : memref<32x128xf32, #tpu.memory_space<vmem>>)
      %run_scoped3A_84 = arith.constant 1 : i32
      "tpu.region"() ({
        %run_scoped3A_168 = tpu.sem_alloc : memref<!tpu.dma_semaphore, #tpu.memory_space<semaphore_mem>>
        %dma_start3A_169 = arith.constant 0 : i32
        %dma_start3A_170 = tpu.memref_slice %arg9[%run_scoped3A_84, %dma_start3A_169] : memref<8x32xi32, #tpu.memory_space<vmem>> -> memref<1x32xi32, #tpu.memory_space<vmem>>
        %dma_start3A_171 = tpu.memref_squeeze %dma_start3A_170 : memref<1x32xi32, #tpu.memory_space<vmem>> -> memref<32xi32, #tpu.memory_space<vmem>>
        %dma_start3A_172 = arith.constant 0 : i32
        %dma_start3A_173 = arith.constant 0 : i32
        %dma_start3A_174 = tpu.memref_slice %arg7[%dma_start3A_172, %dma_start3A_173] : memref<5032x128xf32, #tpu.memory_space<vmem_shared>> -> memref<5032x128xf32, #tpu.memory_space<vmem_shared>>
        tpu.enqueue_indirect_dma source(%arg11 : memref<32x128xf32, #tpu.memory_space<vmem>>) target(%dma_start3A_174 : memref<5032x128xf32, #tpu.memory_space<vmem_shared>>) offsets(%dma_start3A_171 : memref<32xi32, #tpu.memory_space<vmem>>) semaphore(%run_scoped3A_168 : memref<!tpu.dma_semaphore, #tpu.memory_space<semaphore_mem>>) {add = true}
        %dma_wait3A_175 = arith.constant 0 : i32
        %dma_wait3A_176 = tpu.memref_slice %arg9[%run_scoped3A_84, %dma_wait3A_175] : memref<8x32xi32, #tpu.memory_space<vmem>> -> memref<1x32xi32, #tpu.memory_space<vmem>>
        %dma_wait3A_177 = tpu.memref_squeeze %dma_wait3A_176 : memref<1x32xi32, #tpu.memory_space<vmem>> -> memref<32xi32, #tpu.memory_space<vmem>>
        %dma_wait3A_178 = arith.constant 0 : i32
        %dma_wait3A_179 = arith.constant 0 : i32
        %dma_wait3A_180 = tpu.memref_slice %arg7[%dma_wait3A_178, %dma_wait3A_179] : memref<5032x128xf32, #tpu.memory_space<vmem_shared>> -> memref<5032x128xf32, #tpu.memory_space<vmem_shared>>
        tpu.wait_indirect_dma semaphore(%run_scoped3A_168 : memref<!tpu.dma_semaphore, #tpu.memory_space<semaphore_mem>>) src(%arg11 : memref<32x128xf32, #tpu.memory_space<vmem>>) dst(%dma_wait3A_180 : memref<5032x128xf32, #tpu.memory_space<vmem_shared>>)
        tpu.yield
      }) : () -> ()
      %dma_start3A_85 = arith.constant 3 : i32
      %dma_start3A_86 = arith.constant 0 : i32
      %dma_start3A_87 = tpu.memref_slice %arg8[%dma_start3A_85, %dma_start3A_86] : memref<8x32xi32, #tpu.memory_space<vmem>> -> memref<1x32xi32, #tpu.memory_space<vmem>>
      %dma_start3A_88 = tpu.memref_squeeze %dma_start3A_87 : memref<1x32xi32, #tpu.memory_space<vmem>> -> memref<32xi32, #tpu.memory_space<vmem>>
      %dma_start3A_89 = arith.constant 0 : i32
      %dma_start3A_90 = arith.constant 0 : i32
      %dma_start3A_91 = tpu.memref_slice %arg6[%dma_start3A_89, %dma_start3A_90] : memref<10000x128xf32, #tpu.memory_space<vmem_shared>> -> memref<10000x128xf32, #tpu.memory_space<vmem_shared>>
      tpu.enqueue_indirect_dma source(%dma_start3A_91 : memref<10000x128xf32, #tpu.memory_space<vmem_shared>>) target(%arg11 : memref<32x128xf32, #tpu.memory_space<vmem>>) offsets(%dma_start3A_88 : memref<32xi32, #tpu.memory_space<vmem>>) semaphore(%arg13 : memref<!tpu.dma_semaphore, #tpu.memory_space<semaphore_mem>>)
      %dma_wait3A_92 = arith.constant 0 : i32
      %dma_wait3A_93 = arith.constant 0 : i32
      %dma_wait3A_94 = tpu.memref_slice %arg8[%dma_wait3A_92, %dma_wait3A_93] : memref<8x32xi32, #tpu.memory_space<vmem>> -> memref<1x32xi32, #tpu.memory_space<vmem>>
      %dma_wait3A_95 = tpu.memref_squeeze %dma_wait3A_94 : memref<1x32xi32, #tpu.memory_space<vmem>> -> memref<32xi32, #tpu.memory_space<vmem>>
      %dma_wait3A_96 = arith.constant 0 : i32
      %dma_wait3A_97 = arith.constant 0 : i32
      %dma_wait3A_98 = tpu.memref_slice %arg6[%dma_wait3A_96, %dma_wait3A_97] : memref<10000x128xf32, #tpu.memory_space<vmem_shared>> -> memref<10000x128xf32, #tpu.memory_space<vmem_shared>>
      tpu.wait_indirect_dma semaphore(%arg12 : memref<!tpu.dma_semaphore, #tpu.memory_space<semaphore_mem>>) src(%dma_wait3A_98 : memref<10000x128xf32, #tpu.memory_space<vmem_shared>>) dst(%arg10 : memref<32x128xf32, #tpu.memory_space<vmem>>)
      %run_scoped3A_99 = arith.constant 2 : i32
      "tpu.region"() ({
        %run_scoped3A_168 = tpu.sem_alloc : memref<!tpu.dma_semaphore, #tpu.memory_space<semaphore_mem>>
        %dma_start3A_169 = arith.constant 0 : i32
        %dma_start3A_170 = tpu.memref_slice %arg9[%run_scoped3A_99, %dma_start3A_169] : memref<8x32xi32, #tpu.memory_space<vmem>> -> memref<1x32xi32, #tpu.memory_space<vmem>>
        %dma_start3A_171 = tpu.memref_squeeze %dma_start3A_170 : memref<1x32xi32, #tpu.memory_space<vmem>> -> memref<32xi32, #tpu.memory_space<vmem>>
        %dma_start3A_172 = arith.constant 0 : i32
        %dma_start3A_173 = arith.constant 0 : i32
        %dma_start3A_174 = tpu.memref_slice %arg7[%dma_start3A_172, %dma_start3A_173] : memref<5032x128xf32, #tpu.memory_space<vmem_shared>> -> memref<5032x128xf32, #tpu.memory_space<vmem_shared>>
        tpu.enqueue_indirect_dma source(%arg10 : memref<32x128xf32, #tpu.memory_space<vmem>>) target(%dma_start3A_174 : memref<5032x128xf32, #tpu.memory_space<vmem_shared>>) offsets(%dma_start3A_171 : memref<32xi32, #tpu.memory_space<vmem>>) semaphore(%run_scoped3A_168 : memref<!tpu.dma_semaphore, #tpu.memory_space<semaphore_mem>>) {add = true}
        %dma_wait3A_175 = arith.constant 0 : i32
        %dma_wait3A_176 = tpu.memref_slice %arg9[%run_scoped3A_99, %dma_wait3A_175] : memref<8x32xi32, #tpu.memory_space<vmem>> -> memref<1x32xi32, #tpu.memory_space<vmem>>
        %dma_wait3A_177 = tpu.memref_squeeze %dma_wait3A_176 : memref<1x32xi32, #tpu.memory_space<vmem>> -> memref<32xi32, #tpu.memory_space<vmem>>
        %dma_wait3A_178 = arith.constant 0 : i32
        %dma_wait3A_179 = arith.constant 0 : i32
        %dma_wait3A_180 = tpu.memref_slice %arg7[%dma_wait3A_178, %dma_wait3A_179] : memref<5032x128xf32, #tpu.memory_space<vmem_shared>> -> memref<5032x128xf32, #tpu.memory_space<vmem_shared>>
        tpu.wait_indirect_dma semaphore(%run_scoped3A_168 : memref<!tpu.dma_semaphore, #tpu.memory_space<semaphore_mem>>) src(%arg10 : memref<32x128xf32, #tpu.memory_space<vmem>>) dst(%dma_wait3A_180 : memref<5032x128xf32, #tpu.memory_space<vmem_shared>>)
        tpu.yield
      }) : () -> ()
      %dma_start3A_100 = arith.constant 4 : i32
      %dma_start3A_101 = arith.constant 0 : i32
      %dma_start3A_102 = tpu.memref_slice %arg8[%dma_start3A_100, %dma_start3A_101] : memref<8x32xi32, #tpu.memory_space<vmem>> -> memref<1x32xi32, #tpu.memory_space<vmem>>
      %dma_start3A_103 = tpu.memref_squeeze %dma_start3A_102 : memref<1x32xi32, #tpu.memory_space<vmem>> -> memref<32xi32, #tpu.memory_space<vmem>>
      %dma_start3A_104 = arith.constant 0 : i32
      %dma_start3A_105 = arith.constant 0 : i32
      %dma_start3A_106 = tpu.memref_slice %arg6[%dma_start3A_104, %dma_start3A_105] : memref<10000x128xf32, #tpu.memory_space<vmem_shared>> -> memref<10000x128xf32, #tpu.memory_space<vmem_shared>>
      tpu.enqueue_indirect_dma source(%dma_start3A_106 : memref<10000x128xf32, #tpu.memory_space<vmem_shared>>) target(%arg10 : memref<32x128xf32, #tpu.memory_space<vmem>>) offsets(%dma_start3A_103 : memref<32xi32, #tpu.memory_space<vmem>>) semaphore(%arg12 : memref<!tpu.dma_semaphore, #tpu.memory_space<semaphore_mem>>)
      %dma_wait3A_107 = arith.constant 1 : i32
      %dma_wait3A_108 = arith.constant 0 : i32
      %dma_wait3A_109 = tpu.memref_slice %arg8[%dma_wait3A_107, %dma_wait3A_108] : memref<8x32xi32, #tpu.memory_space<vmem>> -> memref<1x32xi32, #tpu.memory_space<vmem>>
      %dma_wait3A_110 = tpu.memref_squeeze %dma_wait3A_109 : memref<1x32xi32, #tpu.memory_space<vmem>> -> memref<32xi32, #tpu.memory_space<vmem>>
      %dma_wait3A_111 = arith.constant 0 : i32
      %dma_wait3A_112 = arith.constant 0 : i32
      %dma_wait3A_113 = tpu.memref_slice %arg6[%dma_wait3A_111, %dma_wait3A_112] : memref<10000x128xf32, #tpu.memory_space<vmem_shared>> -> memref<10000x128xf32, #tpu.memory_space<vmem_shared>>
      tpu.wait_indirect_dma semaphore(%arg13 : memref<!tpu.dma_semaphore, #tpu.memory_space<semaphore_mem>>) src(%dma_wait3A_113 : memref<10000x128xf32, #tpu.memory_space<vmem_shared>>) dst(%arg11 : memref<32x128xf32, #tpu.memory_space<vmem>>)
      %run_scoped3A_114 = arith.constant 3 : i32
      "tpu.region"() ({
        %run_scoped3A_168 = tpu.sem_alloc : memref<!tpu.dma_semaphore, #tpu.memory_space<semaphore_mem>>
        %dma_start3A_169 = arith.constant 0 : i32
        %dma_start3A_170 = tpu.memref_slice %arg9[%run_scoped3A_114, %dma_start3A_169] : memref<8x32xi32, #tpu.memory_space<vmem>> -> memref<1x32xi32, #tpu.memory_space<vmem>>
        %dma_start3A_171 = tpu.memref_squeeze %dma_start3A_170 : memref<1x32xi32, #tpu.memory_space<vmem>> -> memref<32xi32, #tpu.memory_space<vmem>>
        %dma_start3A_172 = arith.constant 0 : i32
        %dma_start3A_173 = arith.constant 0 : i32
        %dma_start3A_174 = tpu.memref_slice %arg7[%dma_start3A_172, %dma_start3A_173] : memref<5032x128xf32, #tpu.memory_space<vmem_shared>> -> memref<5032x128xf32, #tpu.memory_space<vmem_shared>>
        tpu.enqueue_indirect_dma source(%arg11 : memref<32x128xf32, #tpu.memory_space<vmem>>) target(%dma_start3A_174 : memref<5032x128xf32, #tpu.memory_space<vmem_shared>>) offsets(%dma_start3A_171 : memref<32xi32, #tpu.memory_space<vmem>>) semaphore(%run_scoped3A_168 : memref<!tpu.dma_semaphore, #tpu.memory_space<semaphore_mem>>) {add = true}
        %dma_wait3A_175 = arith.constant 0 : i32
        %dma_wait3A_176 = tpu.memref_slice %arg9[%run_scoped3A_114, %dma_wait3A_175] : memref<8x32xi32, #tpu.memory_space<vmem>> -> memref<1x32xi32, #tpu.memory_space<vmem>>
        %dma_wait3A_177 = tpu.memref_squeeze %dma_wait3A_176 : memref<1x32xi32, #tpu.memory_space<vmem>> -> memref<32xi32, #tpu.memory_space<vmem>>
        %dma_wait3A_178 = arith.constant 0 : i32
        %dma_wait3A_179 = arith.constant 0 : i32
        %dma_wait3A_180 = tpu.memref_slice %arg7[%dma_wait3A_178, %dma_wait3A_179] : memref<5032x128xf32, #tpu.memory_space<vmem_shared>> -> memref<5032x128xf32, #tpu.memory_space<vmem_shared>>
        tpu.wait_indirect_dma semaphore(%run_scoped3A_168 : memref<!tpu.dma_semaphore, #tpu.memory_space<semaphore_mem>>) src(%arg11 : memref<32x128xf32, #tpu.memory_space<vmem>>) dst(%dma_wait3A_180 : memref<5032x128xf32, #tpu.memory_space<vmem_shared>>)
        tpu.yield
      }) : () -> ()
      %dma_start3A_115 = arith.constant 5 : i32
      %dma_start3A_116 = arith.constant 0 : i32
      %dma_start3A_117 = tpu.memref_slice %arg8[%dma_start3A_115, %dma_start3A_116] : memref<8x32xi32, #tpu.memory_space<vmem>> -> memref<1x32xi32, #tpu.memory_space<vmem>>
      %dma_start3A_118 = tpu.memref_squeeze %dma_start3A_117 : memref<1x32xi32, #tpu.memory_space<vmem>> -> memref<32xi32, #tpu.memory_space<vmem>>
      %dma_start3A_119 = arith.constant 0 : i32
      %dma_start3A_120 = arith.constant 0 : i32
      %dma_start3A_121 = tpu.memref_slice %arg6[%dma_start3A_119, %dma_start3A_120] : memref<10000x128xf32, #tpu.memory_space<vmem_shared>> -> memref<10000x128xf32, #tpu.memory_space<vmem_shared>>
      tpu.enqueue_indirect_dma source(%dma_start3A_121 : memref<10000x128xf32, #tpu.memory_space<vmem_shared>>) target(%arg11 : memref<32x128xf32, #tpu.memory_space<vmem>>) offsets(%dma_start3A_118 : memref<32xi32, #tpu.memory_space<vmem>>) semaphore(%arg13 : memref<!tpu.dma_semaphore, #tpu.memory_space<semaphore_mem>>)
      %dma_wait3A_122 = arith.constant 0 : i32
      %dma_wait3A_123 = arith.constant 0 : i32
      %dma_wait3A_124 = tpu.memref_slice %arg8[%dma_wait3A_122, %dma_wait3A_123] : memref<8x32xi32, #tpu.memory_space<vmem>> -> memref<1x32xi32, #tpu.memory_space<vmem>>
      %dma_wait3A_125 = tpu.memref_squeeze %dma_wait3A_124 : memref<1x32xi32, #tpu.memory_space<vmem>> -> memref<32xi32, #tpu.memory_space<vmem>>
      %dma_wait3A_126 = arith.constant 0 : i32
      %dma_wait3A_127 = arith.constant 0 : i32
      %dma_wait3A_128 = tpu.memref_slice %arg6[%dma_wait3A_126, %dma_wait3A_127] : memref<10000x128xf32, #tpu.memory_space<vmem_shared>> -> memref<10000x128xf32, #tpu.memory_space<vmem_shared>>
      tpu.wait_indirect_dma semaphore(%arg12 : memref<!tpu.dma_semaphore, #tpu.memory_space<semaphore_mem>>) src(%dma_wait3A_128 : memref<10000x128xf32, #tpu.memory_space<vmem_shared>>) dst(%arg10 : memref<32x128xf32, #tpu.memory_space<vmem>>)
      %run_scoped3A_129 = arith.constant 4 : i32
      "tpu.region"() ({
        %run_scoped3A_168 = tpu.sem_alloc : memref<!tpu.dma_semaphore, #tpu.memory_space<semaphore_mem>>
        %dma_start3A_169 = arith.constant 0 : i32
        %dma_start3A_170 = tpu.memref_slice %arg9[%run_scoped3A_129, %dma_start3A_169] : memref<8x32xi32, #tpu.memory_space<vmem>> -> memref<1x32xi32, #tpu.memory_space<vmem>>
        %dma_start3A_171 = tpu.memref_squeeze %dma_start3A_170 : memref<1x32xi32, #tpu.memory_space<vmem>> -> memref<32xi32, #tpu.memory_space<vmem>>
        %dma_start3A_172 = arith.constant 0 : i32
        %dma_start3A_173 = arith.constant 0 : i32
        %dma_start3A_174 = tpu.memref_slice %arg7[%dma_start3A_172, %dma_start3A_173] : memref<5032x128xf32, #tpu.memory_space<vmem_shared>> -> memref<5032x128xf32, #tpu.memory_space<vmem_shared>>
        tpu.enqueue_indirect_dma source(%arg10 : memref<32x128xf32, #tpu.memory_space<vmem>>) target(%dma_start3A_174 : memref<5032x128xf32, #tpu.memory_space<vmem_shared>>) offsets(%dma_start3A_171 : memref<32xi32, #tpu.memory_space<vmem>>) semaphore(%run_scoped3A_168 : memref<!tpu.dma_semaphore, #tpu.memory_space<semaphore_mem>>) {add = true}
        %dma_wait3A_175 = arith.constant 0 : i32
        %dma_wait3A_176 = tpu.memref_slice %arg9[%run_scoped3A_129, %dma_wait3A_175] : memref<8x32xi32, #tpu.memory_space<vmem>> -> memref<1x32xi32, #tpu.memory_space<vmem>>
        %dma_wait3A_177 = tpu.memref_squeeze %dma_wait3A_176 : memref<1x32xi32, #tpu.memory_space<vmem>> -> memref<32xi32, #tpu.memory_space<vmem>>
        %dma_wait3A_178 = arith.constant 0 : i32
        %dma_wait3A_179 = arith.constant 0 : i32
        %dma_wait3A_180 = tpu.memref_slice %arg7[%dma_wait3A_178, %dma_wait3A_179] : memref<5032x128xf32, #tpu.memory_space<vmem_shared>> -> memref<5032x128xf32, #tpu.memory_space<vmem_shared>>
        tpu.wait_indirect_dma semaphore(%run_scoped3A_168 : memref<!tpu.dma_semaphore, #tpu.memory_space<semaphore_mem>>) src(%arg10 : memref<32x128xf32, #tpu.memory_space<vmem>>) dst(%dma_wait3A_180 : memref<5032x128xf32, #tpu.memory_space<vmem_shared>>)
        tpu.yield
      }) : () -> ()
      %dma_start3A_130 = arith.constant 6 : i32
      %dma_start3A_131 = arith.constant 0 : i32
      %dma_start3A_132 = tpu.memref_slice %arg8[%dma_start3A_130, %dma_start3A_131] : memref<8x32xi32, #tpu.memory_space<vmem>> -> memref<1x32xi32, #tpu.memory_space<vmem>>
      %dma_start3A_133 = tpu.memref_squeeze %dma_start3A_132 : memref<1x32xi32, #tpu.memory_space<vmem>> -> memref<32xi32, #tpu.memory_space<vmem>>
      %dma_start3A_134 = arith.constant 0 : i32
      %dma_start3A_135 = arith.constant 0 : i32
      %dma_start3A_136 = tpu.memref_slice %arg6[%dma_start3A_134, %dma_start3A_135] : memref<10000x128xf32, #tpu.memory_space<vmem_shared>> -> memref<10000x128xf32, #tpu.memory_space<vmem_shared>>
      tpu.enqueue_indirect_dma source(%dma_start3A_136 : memref<10000x128xf32, #tpu.memory_space<vmem_shared>>) target(%arg10 : memref<32x128xf32, #tpu.memory_space<vmem>>) offsets(%dma_start3A_133 : memref<32xi32, #tpu.memory_space<vmem>>) semaphore(%arg12 : memref<!tpu.dma_semaphore, #tpu.memory_space<semaphore_mem>>)
      %dma_wait3A_137 = arith.constant 1 : i32
      %dma_wait3A_138 = arith.constant 0 : i32
      %dma_wait3A_139 = tpu.memref_slice %arg8[%dma_wait3A_137, %dma_wait3A_138] : memref<8x32xi32, #tpu.memory_space<vmem>> -> memref<1x32xi32, #tpu.memory_space<vmem>>
      %dma_wait3A_140 = tpu.memref_squeeze %dma_wait3A_139 : memref<1x32xi32, #tpu.memory_space<vmem>> -> memref<32xi32, #tpu.memory_space<vmem>>
      %dma_wait3A_141 = arith.constant 0 : i32
      %dma_wait3A_142 = arith.constant 0 : i32
      %dma_wait3A_143 = tpu.memref_slice %arg6[%dma_wait3A_141, %dma_wait3A_142] : memref<10000x128xf32, #tpu.memory_space<vmem_shared>> -> memref<10000x128xf32, #tpu.memory_space<vmem_shared>>
      tpu.wait_indirect_dma semaphore(%arg13 : memref<!tpu.dma_semaphore, #tpu.memory_space<semaphore_mem>>) src(%dma_wait3A_143 : memref<10000x128xf32, #tpu.memory_space<vmem_shared>>) dst(%arg11 : memref<32x128xf32, #tpu.memory_space<vmem>>)
      %run_scoped3A_144 = arith.constant 5 : i32
      "tpu.region"() ({
        %run_scoped3A_168 = tpu.sem_alloc : memref<!tpu.dma_semaphore, #tpu.memory_space<semaphore_mem>>
        %dma_start3A_169 = arith.constant 0 : i32
        %dma_start3A_170 = tpu.memref_slice %arg9[%run_scoped3A_144, %dma_start3A_169] : memref<8x32xi32, #tpu.memory_space<vmem>> -> memref<1x32xi32, #tpu.memory_space<vmem>>
        %dma_start3A_171 = tpu.memref_squeeze %dma_start3A_170 : memref<1x32xi32, #tpu.memory_space<vmem>> -> memref<32xi32, #tpu.memory_space<vmem>>
        %dma_start3A_172 = arith.constant 0 : i32
        %dma_start3A_173 = arith.constant 0 : i32
        %dma_start3A_174 = tpu.memref_slice %arg7[%dma_start3A_172, %dma_start3A_173] : memref<5032x128xf32, #tpu.memory_space<vmem_shared>> -> memref<5032x128xf32, #tpu.memory_space<vmem_shared>>
        tpu.enqueue_indirect_dma source(%arg11 : memref<32x128xf32, #tpu.memory_space<vmem>>) target(%dma_start3A_174 : memref<5032x128xf32, #tpu.memory_space<vmem_shared>>) offsets(%dma_start3A_171 : memref<32xi32, #tpu.memory_space<vmem>>) semaphore(%run_scoped3A_168 : memref<!tpu.dma_semaphore, #tpu.memory_space<semaphore_mem>>) {add = true}
        %dma_wait3A_175 = arith.constant 0 : i32
        %dma_wait3A_176 = tpu.memref_slice %arg9[%run_scoped3A_144, %dma_wait3A_175] : memref<8x32xi32, #tpu.memory_space<vmem>> -> memref<1x32xi32, #tpu.memory_space<vmem>>
        %dma_wait3A_177 = tpu.memref_squeeze %dma_wait3A_176 : memref<1x32xi32, #tpu.memory_space<vmem>> -> memref<32xi32, #tpu.memory_space<vmem>>
        %dma_wait3A_178 = arith.constant 0 : i32
        %dma_wait3A_179 = arith.constant 0 : i32
        %dma_wait3A_180 = tpu.memref_slice %arg7[%dma_wait3A_178, %dma_wait3A_179] : memref<5032x128xf32, #tpu.memory_space<vmem_shared>> -> memref<5032x128xf32, #tpu.memory_space<vmem_shared>>
        tpu.wait_indirect_dma semaphore(%run_scoped3A_168 : memref<!tpu.dma_semaphore, #tpu.memory_space<semaphore_mem>>) src(%arg11 : memref<32x128xf32, #tpu.memory_space<vmem>>) dst(%dma_wait3A_180 : memref<5032x128xf32, #tpu.memory_space<vmem_shared>>)
        tpu.yield
      }) : () -> ()
      %dma_start3A_145 = arith.constant 7 : i32
      %dma_start3A_146 = arith.constant 0 : i32
      %dma_start3A_147 = tpu.memref_slice %arg8[%dma_start3A_145, %dma_start3A_146] : memref<8x32xi32, #tpu.memory_space<vmem>> -> memref<1x32xi32, #tpu.memory_space<vmem>>
      %dma_start3A_148 = tpu.memref_squeeze %dma_start3A_147 : memref<1x32xi32, #tpu.memory_space<vmem>> -> memref<32xi32, #tpu.memory_space<vmem>>
      %dma_start3A_149 = arith.constant 0 : i32
      %dma_start3A_150 = arith.constant 0 : i32
      %dma_start3A_151 = tpu.memref_slice %arg6[%dma_start3A_149, %dma_start3A_150] : memref<10000x128xf32, #tpu.memory_space<vmem_shared>> -> memref<10000x128xf32, #tpu.memory_space<vmem_shared>>
      tpu.enqueue_indirect_dma source(%dma_start3A_151 : memref<10000x128xf32, #tpu.memory_space<vmem_shared>>) target(%arg11 : memref<32x128xf32, #tpu.memory_space<vmem>>) offsets(%dma_start3A_148 : memref<32xi32, #tpu.memory_space<vmem>>) semaphore(%arg13 : memref<!tpu.dma_semaphore, #tpu.memory_space<semaphore_mem>>)
      %dma_wait3A_152 = arith.constant 0 : i32
      %dma_wait3A_153 = arith.constant 0 : i32
      %dma_wait3A_154 = tpu.memref_slice %arg8[%dma_wait3A_152, %dma_wait3A_153] : memref<8x32xi32, #tpu.memory_space<vmem>> -> memref<1x32xi32, #tpu.memory_space<vmem>>
      %dma_wait3A_155 = tpu.memref_squeeze %dma_wait3A_154 : memref<1x32xi32, #tpu.memory_space<vmem>> -> memref<32xi32, #tpu.memory_space<vmem>>
      %dma_wait3A_156 = arith.constant 0 : i32
      %dma_wait3A_157 = arith.constant 0 : i32
      %dma_wait3A_158 = tpu.memref_slice %arg6[%dma_wait3A_156, %dma_wait3A_157] : memref<10000x128xf32, #tpu.memory_space<vmem_shared>> -> memref<10000x128xf32, #tpu.memory_space<vmem_shared>>
      tpu.wait_indirect_dma semaphore(%arg12 : memref<!tpu.dma_semaphore, #tpu.memory_space<semaphore_mem>>) src(%dma_wait3A_158 : memref<10000x128xf32, #tpu.memory_space<vmem_shared>>) dst(%arg10 : memref<32x128xf32, #tpu.memory_space<vmem>>)
      %run_scoped3A_159 = arith.constant 6 : i32
      "tpu.region"() ({
        %run_scoped3A_168 = tpu.sem_alloc : memref<!tpu.dma_semaphore, #tpu.memory_space<semaphore_mem>>
        %dma_start3A_169 = arith.constant 0 : i32
        %dma_start3A_170 = tpu.memref_slice %arg9[%run_scoped3A_159, %dma_start3A_169] : memref<8x32xi32, #tpu.memory_space<vmem>> -> memref<1x32xi32, #tpu.memory_space<vmem>>
        %dma_start3A_171 = tpu.memref_squeeze %dma_start3A_170 : memref<1x32xi32, #tpu.memory_space<vmem>> -> memref<32xi32, #tpu.memory_space<vmem>>
        %dma_start3A_172 = arith.constant 0 : i32
        %dma_start3A_173 = arith.constant 0 : i32
        %dma_start3A_174 = tpu.memref_slice %arg7[%dma_start3A_172, %dma_start3A_173] : memref<5032x128xf32, #tpu.memory_space<vmem_shared>> -> memref<5032x128xf32, #tpu.memory_space<vmem_shared>>
        tpu.enqueue_indirect_dma source(%arg10 : memref<32x128xf32, #tpu.memory_space<vmem>>) target(%dma_start3A_174 : memref<5032x128xf32, #tpu.memory_space<vmem_shared>>) offsets(%dma_start3A_171 : memref<32xi32, #tpu.memory_space<vmem>>) semaphore(%run_scoped3A_168 : memref<!tpu.dma_semaphore, #tpu.memory_space<semaphore_mem>>) {add = true}
        %dma_wait3A_175 = arith.constant 0 : i32
        %dma_wait3A_176 = tpu.memref_slice %arg9[%run_scoped3A_159, %dma_wait3A_175] : memref<8x32xi32, #tpu.memory_space<vmem>> -> memref<1x32xi32, #tpu.memory_space<vmem>>
        %dma_wait3A_177 = tpu.memref_squeeze %dma_wait3A_176 : memref<1x32xi32, #tpu.memory_space<vmem>> -> memref<32xi32, #tpu.memory_space<vmem>>
        %dma_wait3A_178 = arith.constant 0 : i32
        %dma_wait3A_179 = arith.constant 0 : i32
        %dma_wait3A_180 = tpu.memref_slice %arg7[%dma_wait3A_178, %dma_wait3A_179] : memref<5032x128xf32, #tpu.memory_space<vmem_shared>> -> memref<5032x128xf32, #tpu.memory_space<vmem_shared>>
        tpu.wait_indirect_dma semaphore(%run_scoped3A_168 : memref<!tpu.dma_semaphore, #tpu.memory_space<semaphore_mem>>) src(%arg10 : memref<32x128xf32, #tpu.memory_space<vmem>>) dst(%dma_wait3A_180 : memref<5032x128xf32, #tpu.memory_space<vmem_shared>>)
        tpu.yield
      }) : () -> ()
      %dma_wait3A_160 = arith.constant 1 : i32
      %dma_wait3A_161 = arith.constant 0 : i32
      %dma_wait3A_162 = tpu.memref_slice %arg8[%dma_wait3A_160, %dma_wait3A_161] : memref<8x32xi32, #tpu.memory_space<vmem>> -> memref<1x32xi32, #tpu.memory_space<vmem>>
      %dma_wait3A_163 = tpu.memref_squeeze %dma_wait3A_162 : memref<1x32xi32, #tpu.memory_space<vmem>> -> memref<32xi32, #tpu.memory_space<vmem>>
      %dma_wait3A_164 = arith.constant 0 : i32
      %dma_wait3A_165 = arith.constant 0 : i32
      %dma_wait3A_166 = tpu.memref_slice %arg6[%dma_wait3A_164, %dma_wait3A_165] : memref<10000x128xf32, #tpu.memory_space<vmem_shared>> -> memref<10000x128xf32, #tpu.memory_space<vmem_shared>>
      tpu.wait_indirect_dma semaphore(%arg13 : memref<!tpu.dma_semaphore, #tpu.memory_space<semaphore_mem>>) src(%dma_wait3A_166 : memref<10000x128xf32, #tpu.memory_space<vmem_shared>>) dst(%arg11 : memref<32x128xf32, #tpu.memory_space<vmem>>)
      %run_scoped3A_167 = arith.constant 7 : i32
      "tpu.region"() ({
        %run_scoped3A_168 = tpu.sem_alloc : memref<!tpu.dma_semaphore, #tpu.memory_space<semaphore_mem>>
        %dma_start3A_169 = arith.constant 0 : i32
        %dma_start3A_170 = tpu.memref_slice %arg9[%run_scoped3A_167, %dma_start3A_169] : memref<8x32xi32, #tpu.memory_space<vmem>> -> memref<1x32xi32, #tpu.memory_space<vmem>>
        %dma_start3A_171 = tpu.memref_squeeze %dma_start3A_170 : memref<1x32xi32, #tpu.memory_space<vmem>> -> memref<32xi32, #tpu.memory_space<vmem>>
        %dma_start3A_172 = arith.constant 0 : i32
        %dma_start3A_173 = arith.constant 0 : i32
        %dma_start3A_174 = tpu.memref_slice %arg7[%dma_start3A_172, %dma_start3A_173] : memref<5032x128xf32, #tpu.memory_space<vmem_shared>> -> memref<5032x128xf32, #tpu.memory_space<vmem_shared>>
        tpu.enqueue_indirect_dma source(%arg11 : memref<32x128xf32, #tpu.memory_space<vmem>>) target(%dma_start3A_174 : memref<5032x128xf32, #tpu.memory_space<vmem_shared>>) offsets(%dma_start3A_171 : memref<32xi32, #tpu.memory_space<vmem>>) semaphore(%run_scoped3A_168 : memref<!tpu.dma_semaphore, #tpu.memory_space<semaphore_mem>>) {add = true}
        %dma_wait3A_175 = arith.constant 0 : i32
        %dma_wait3A_176 = tpu.memref_slice %arg9[%run_scoped3A_167, %dma_wait3A_175] : memref<8x32xi32, #tpu.memory_space<vmem>> -> memref<1x32xi32, #tpu.memory_space<vmem>>
        %dma_wait3A_177 = tpu.memref_squeeze %dma_wait3A_176 : memref<1x32xi32, #tpu.memory_space<vmem>> -> memref<32xi32, #tpu.memory_space<vmem>>
        %dma_wait3A_178 = arith.constant 0 : i32
        %dma_wait3A_179 = arith.constant 0 : i32
        %dma_wait3A_180 = tpu.memref_slice %arg7[%dma_wait3A_178, %dma_wait3A_179] : memref<5032x128xf32, #tpu.memory_space<vmem_shared>> -> memref<5032x128xf32, #tpu.memory_space<vmem_shared>>
        tpu.wait_indirect_dma semaphore(%run_scoped3A_168 : memref<!tpu.dma_semaphore, #tpu.memory_space<semaphore_mem>>) src(%arg11 : memref<32x128xf32, #tpu.memory_space<vmem>>) dst(%dma_wait3A_180 : memref<5032x128xf32, #tpu.memory_space<vmem_shared>>)
        tpu.yield
      }) : () -> ()
    }
    %scan3A_23 = arith.constant 40 : i32
    %add3A_24 = arith.constant 16 : i32
    %add3A_25 = arith.addi %add3A_24, %arg1 : i32
    %scan3A_26 = arith.constant 0 : i32
    %scan3A_27 = arith.constant 0 : i32
    %scan3A_28 = arith.constant 40 : i32
    %scan3A_29 = arith.addi %scan3A_27, %scan3A_28 : i32
    %scan3A_30 = arith.constant 1 : i32
    scf.for %scan3A_43 = %scan3A_27 to %scan3A_29 step %scan3A_30  : i32 {
      %mul3A_44 = arith.constant 8 : i32
      %mul3A_45 = arith.muli %scan3A_43, %mul3A_44 : i32
      "tpu.region"() ({
        %run_scoped3A_168 = tpu.sem_alloc : memref<!tpu.dma_semaphore, #tpu.memory_space<semaphore_mem>>
        %dma_start3A_169 = arith.constant 0 : i32
        %dma_start3A_170 = tpu.memref_slice %arg3[%add3A_25, %mul3A_45, %dma_start3A_169] : memref<32x320x32xi32, #tpu.memory_space<hbm>> -> memref<1x8x32xi32, #tpu.memory_space<hbm>>
        %dma_start3A_171 = tpu.memref_squeeze %dma_start3A_170 : memref<1x8x32xi32, #tpu.memory_space<hbm>> -> memref<8x32xi32, #tpu.memory_space<hbm>>
        %dma_start3A_172 = arith.constant 0 : i32
        %dma_start3A_173 = tpu.memref_slice %arg3[%add3A_25, %mul3A_45, %dma_start3A_172] : memref<32x320x32xi32, #tpu.memory_space<hbm>> -> memref<1x8x32xi32, #tpu.memory_space<hbm>>
        %dma_start3A_174 = tpu.memref_squeeze %dma_start3A_173 : memref<1x8x32xi32, #tpu.memory_space<hbm>> -> memref<8x32xi32, #tpu.memory_space<hbm>>
        tpu.enqueue_dma source(%dma_start3A_174 : memref<8x32xi32, #tpu.memory_space<hbm>>) target(%arg8 : memref<8x32xi32, #tpu.memory_space<vmem>>) target_semaphore(%run_scoped3A_168 : memref<!tpu.dma_semaphore, #tpu.memory_space<semaphore_mem>>)
        %dma_wait3A_175 = arith.constant 0 : i32
        %dma_wait3A_176 = tpu.memref_slice %arg3[%add3A_25, %mul3A_45, %dma_wait3A_175] : memref<32x320x32xi32, #tpu.memory_space<hbm>> -> memref<1x8x32xi32, #tpu.memory_space<hbm>>
        %dma_wait3A_177 = tpu.memref_squeeze %dma_wait3A_176 : memref<1x8x32xi32, #tpu.memory_space<hbm>> -> memref<8x32xi32, #tpu.memory_space<hbm>>
        %dma_wait3A_178 = arith.constant 0 : i32
        %dma_wait3A_179 = tpu.memref_slice %arg3[%add3A_25, %mul3A_45, %dma_wait3A_178] : memref<32x320x32xi32, #tpu.memory_space<hbm>> -> memref<1x8x32xi32, #tpu.memory_space<hbm>>
        %dma_wait3A_180 = tpu.memref_squeeze %dma_wait3A_179 : memref<1x8x32xi32, #tpu.memory_space<hbm>> -> memref<8x32xi32, #tpu.memory_space<hbm>>
        tpu.wait_dma2 semaphore(%run_scoped3A_168 : memref<!tpu.dma_semaphore, #tpu.memory_space<semaphore_mem>>) src(%dma_wait3A_180 : memref<8x32xi32, #tpu.memory_space<hbm>>) dst(%arg8 : memref<8x32xi32, #tpu.memory_space<vmem>>)
        tpu.yield
      }) : () -> ()
      %mul3A_46 = arith.constant 32 : i32
      %mul3A_47 = arith.muli %arg0, %mul3A_46 : i32
      %add3A_48 = arith.addi %mul3A_47, %add3A_25 : i32
      %mul3A_49 = arith.constant 8 : i32
      %mul3A_50 = arith.muli %scan3A_43, %mul3A_49 : i32
      "tpu.region"() ({
        %run_scoped3A_168 = tpu.sem_alloc : memref<!tpu.dma_semaphore, #tpu.memory_space<semaphore_mem>>
        %dma_start3A_169 = arith.constant 0 : i32
        %dma_start3A_170 = tpu.memref_slice %arg4[%add3A_48, %mul3A_50, %dma_start3A_169] : memref<64x320x32xi32, #tpu.memory_space<hbm>> -> memref<1x8x32xi32, #tpu.memory_space<hbm>>
        %dma_start3A_171 = tpu.memref_squeeze %dma_start3A_170 : memref<1x8x32xi32, #tpu.memory_space<hbm>> -> memref<8x32xi32, #tpu.memory_space<hbm>>
        %dma_start3A_172 = arith.constant 0 : i32
        %dma_start3A_173 = tpu.memref_slice %arg4[%add3A_48, %mul3A_50, %dma_start3A_172] : memref<64x320x32xi32, #tpu.memory_space<hbm>> -> memref<1x8x32xi32, #tpu.memory_space<hbm>>
        %dma_start3A_174 = tpu.memref_squeeze %dma_start3A_173 : memref<1x8x32xi32, #tpu.memory_space<hbm>> -> memref<8x32xi32, #tpu.memory_space<hbm>>
        tpu.enqueue_dma source(%dma_start3A_174 : memref<8x32xi32, #tpu.memory_space<hbm>>) target(%arg9 : memref<8x32xi32, #tpu.memory_space<vmem>>) target_semaphore(%run_scoped3A_168 : memref<!tpu.dma_semaphore, #tpu.memory_space<semaphore_mem>>)
        %dma_wait3A_175 = arith.constant 0 : i32
        %dma_wait3A_176 = tpu.memref_slice %arg4[%add3A_48, %mul3A_50, %dma_wait3A_175] : memref<64x320x32xi32, #tpu.memory_space<hbm>> -> memref<1x8x32xi32, #tpu.memory_space<hbm>>
        %dma_wait3A_177 = tpu.memref_squeeze %dma_wait3A_176 : memref<1x8x32xi32, #tpu.memory_space<hbm>> -> memref<8x32xi32, #tpu.memory_space<hbm>>
        %dma_wait3A_178 = arith.constant 0 : i32
        %dma_wait3A_179 = tpu.memref_slice %arg4[%add3A_48, %mul3A_50, %dma_wait3A_178] : memref<64x320x32xi32, #tpu.memory_space<hbm>> -> memref<1x8x32xi32, #tpu.memory_space<hbm>>
        %dma_wait3A_180 = tpu.memref_squeeze %dma_wait3A_179 : memref<1x8x32xi32, #tpu.memory_space<hbm>> -> memref<8x32xi32, #tpu.memory_space<hbm>>
        tpu.wait_dma2 semaphore(%run_scoped3A_168 : memref<!tpu.dma_semaphore, #tpu.memory_space<semaphore_mem>>) src(%dma_wait3A_180 : memref<8x32xi32, #tpu.memory_space<hbm>>) dst(%arg9 : memref<8x32xi32, #tpu.memory_space<vmem>>)
        tpu.yield
      }) : () -> ()
      %dma_start3A = arith.constant 0 : i32
      %dma_start3A_51 = arith.constant 0 : i32
      %dma_start3A_52 = tpu.memref_slice %arg8[%dma_start3A, %dma_start3A_51] : memref<8x32xi32, #tpu.memory_space<vmem>> -> memref<1x32xi32, #tpu.memory_space<vmem>>
      %dma_start3A_53 = tpu.memref_squeeze %dma_start3A_52 : memref<1x32xi32, #tpu.memory_space<vmem>> -> memref<32xi32, #tpu.memory_space<vmem>>
      %dma_start3A_54 = arith.constant 0 : i32
      %dma_start3A_55 = arith.constant 0 : i32
      %dma_start3A_56 = tpu.memref_slice %arg6[%dma_start3A_54, %dma_start3A_55] : memref<10000x128xf32, #tpu.memory_space<vmem_shared>> -> memref<10000x128xf32, #tpu.memory_space<vmem_shared>>
      tpu.enqueue_indirect_dma source(%dma_start3A_56 : memref<10000x128xf32, #tpu.memory_space<vmem_shared>>) target(%arg10 : memref<32x128xf32, #tpu.memory_space<vmem>>) offsets(%dma_start3A_53 : memref<32xi32, #tpu.memory_space<vmem>>) semaphore(%arg12 : memref<!tpu.dma_semaphore, #tpu.memory_space<semaphore_mem>>)
      %dma_start3A_57 = arith.constant 1 : i32
      %dma_start3A_58 = arith.constant 0 : i32
      %dma_start3A_59 = tpu.memref_slice %arg8[%dma_start3A_57, %dma_start3A_58] : memref<8x32xi32, #tpu.memory_space<vmem>> -> memref<1x32xi32, #tpu.memory_space<vmem>>
      %dma_start3A_60 = tpu.memref_squeeze %dma_start3A_59 : memref<1x32xi32, #tpu.memory_space<vmem>> -> memref<32xi32, #tpu.memory_space<vmem>>
      %dma_start3A_61 = arith.constant 0 : i32
      %dma_start3A_62 = arith.constant 0 : i32
      %dma_start3A_63 = tpu.memref_slice %arg6[%dma_start3A_61, %dma_start3A_62] : memref<10000x128xf32, #tpu.memory_space<vmem_shared>> -> memref<10000x128xf32, #tpu.memory_space<vmem_shared>>
      tpu.enqueue_indirect_dma source(%dma_start3A_63 : memref<10000x128xf32, #tpu.memory_space<vmem_shared>>) target(%arg11 : memref<32x128xf32, #tpu.memory_space<vmem>>) offsets(%dma_start3A_60 : memref<32xi32, #tpu.memory_space<vmem>>) semaphore(%arg13 : memref<!tpu.dma_semaphore, #tpu.memory_space<semaphore_mem>>)
      %dma_wait3A = arith.constant 0 : i32
      %dma_wait3A_64 = arith.constant 0 : i32
      %dma_wait3A_65 = tpu.memref_slice %arg8[%dma_wait3A, %dma_wait3A_64] : memref<8x32xi32, #tpu.memory_space<vmem>> -> memref<1x32xi32, #tpu.memory_space<vmem>>
      %dma_wait3A_66 = tpu.memref_squeeze %dma_wait3A_65 : memref<1x32xi32, #tpu.memory_space<vmem>> -> memref<32xi32, #tpu.memory_space<vmem>>
      %dma_wait3A_67 = arith.constant 0 : i32
      %dma_wait3A_68 = arith.constant 0 : i32
      %dma_wait3A_69 = tpu.memref_slice %arg6[%dma_wait3A_67, %dma_wait3A_68] : memref<10000x128xf32, #tpu.memory_space<vmem_shared>> -> memref<10000x128xf32, #tpu.memory_space<vmem_shared>>
      tpu.wait_indirect_dma semaphore(%arg12 : memref<!tpu.dma_semaphore, #tpu.memory_space<semaphore_mem>>) src(%dma_wait3A_69 : memref<10000x128xf32, #tpu.memory_space<vmem_shared>>) dst(%arg10 : memref<32x128xf32, #tpu.memory_space<vmem>>)
      %run_scoped3A = arith.constant 0 : i32
      "tpu.region"() ({
        %run_scoped3A_168 = tpu.sem_alloc : memref<!tpu.dma_semaphore, #tpu.memory_space<semaphore_mem>>
        %dma_start3A_169 = arith.constant 0 : i32
        %dma_start3A_170 = tpu.memref_slice %arg9[%run_scoped3A, %dma_start3A_169] : memref<8x32xi32, #tpu.memory_space<vmem>> -> memref<1x32xi32, #tpu.memory_space<vmem>>
        %dma_start3A_171 = tpu.memref_squeeze %dma_start3A_170 : memref<1x32xi32, #tpu.memory_space<vmem>> -> memref<32xi32, #tpu.memory_space<vmem>>
        %dma_start3A_172 = arith.constant 0 : i32
        %dma_start3A_173 = arith.constant 0 : i32
        %dma_start3A_174 = tpu.memref_slice %arg7[%dma_start3A_172, %dma_start3A_173] : memref<5032x128xf32, #tpu.memory_space<vmem_shared>> -> memref<5032x128xf32, #tpu.memory_space<vmem_shared>>
        tpu.enqueue_indirect_dma source(%arg10 : memref<32x128xf32, #tpu.memory_space<vmem>>) target(%dma_start3A_174 : memref<5032x128xf32, #tpu.memory_space<vmem_shared>>) offsets(%dma_start3A_171 : memref<32xi32, #tpu.memory_space<vmem>>) semaphore(%run_scoped3A_168 : memref<!tpu.dma_semaphore, #tpu.memory_space<semaphore_mem>>) {add = true}
        %dma_wait3A_175 = arith.constant 0 : i32
        %dma_wait3A_176 = tpu.memref_slice %arg9[%run_scoped3A, %dma_wait3A_175] : memref<8x32xi32, #tpu.memory_space<vmem>> -> memref<1x32xi32, #tpu.memory_space<vmem>>
        %dma_wait3A_177 = tpu.memref_squeeze %dma_wait3A_176 : memref<1x32xi32, #tpu.memory_space<vmem>> -> memref<32xi32, #tpu.memory_space<vmem>>
        %dma_wait3A_178 = arith.constant 0 : i32
        %dma_wait3A_179 = arith.constant 0 : i32
        %dma_wait3A_180 = tpu.memref_slice %arg7[%dma_wait3A_178, %dma_wait3A_179] : memref<5032x128xf32, #tpu.memory_space<vmem_shared>> -> memref<5032x128xf32, #tpu.memory_space<vmem_shared>>
        tpu.wait_indirect_dma semaphore(%run_scoped3A_168 : memref<!tpu.dma_semaphore, #tpu.memory_space<semaphore_mem>>) src(%arg10 : memref<32x128xf32, #tpu.memory_space<vmem>>) dst(%dma_wait3A_180 : memref<5032x128xf32, #tpu.memory_space<vmem_shared>>)
        tpu.yield
      }) : () -> ()
      %dma_start3A_70 = arith.constant 2 : i32
      %dma_start3A_71 = arith.constant 0 : i32
      %dma_start3A_72 = tpu.memref_slice %arg8[%dma_start3A_70, %dma_start3A_71] : memref<8x32xi32, #tpu.memory_space<vmem>> -> memref<1x32xi32, #tpu.memory_space<vmem>>
      %dma_start3A_73 = tpu.memref_squeeze %dma_start3A_72 : memref<1x32xi32, #tpu.memory_space<vmem>> -> memref<32xi32, #tpu.memory_space<vmem>>
      %dma_start3A_74 = arith.constant 0 : i32
      %dma_start3A_75 = arith.constant 0 : i32
      %dma_start3A_76 = tpu.memref_slice %arg6[%dma_start3A_74, %dma_start3A_75] : memref<10000x128xf32, #tpu.memory_space<vmem_shared>> -> memref<10000x128xf32, #tpu.memory_space<vmem_shared>>
      tpu.enqueue_indirect_dma source(%dma_start3A_76 : memref<10000x128xf32, #tpu.memory_space<vmem_shared>>) target(%arg10 : memref<32x128xf32, #tpu.memory_space<vmem>>) offsets(%dma_start3A_73 : memref<32xi32, #tpu.memory_space<vmem>>) semaphore(%arg12 : memref<!tpu.dma_semaphore, #tpu.memory_space<semaphore_mem>>)
      %dma_wait3A_77 = arith.constant 1 : i32
      %dma_wait3A_78 = arith.constant 0 : i32
      %dma_wait3A_79 = tpu.memref_slice %arg8[%dma_wait3A_77, %dma_wait3A_78] : memref<8x32xi32, #tpu.memory_space<vmem>> -> memref<1x32xi32, #tpu.memory_space<vmem>>
      %dma_wait3A_80 = tpu.memref_squeeze %dma_wait3A_79 : memref<1x32xi32, #tpu.memory_space<vmem>> -> memref<32xi32, #tpu.memory_space<vmem>>
      %dma_wait3A_81 = arith.constant 0 : i32
      %dma_wait3A_82 = arith.constant 0 : i32
      %dma_wait3A_83 = tpu.memref_slice %arg6[%dma_wait3A_81, %dma_wait3A_82] : memref<10000x128xf32, #tpu.memory_space<vmem_shared>> -> memref<10000x128xf32, #tpu.memory_space<vmem_shared>>
      tpu.wait_indirect_dma semaphore(%arg13 : memref<!tpu.dma_semaphore, #tpu.memory_space<semaphore_mem>>) src(%dma_wait3A_83 : memref<10000x128xf32, #tpu.memory_space<vmem_shared>>) dst(%arg11 : memref<32x128xf32, #tpu.memory_space<vmem>>)
      %run_scoped3A_84 = arith.constant 1 : i32
      "tpu.region"() ({
        %run_scoped3A_168 = tpu.sem_alloc : memref<!tpu.dma_semaphore, #tpu.memory_space<semaphore_mem>>
        %dma_start3A_169 = arith.constant 0 : i32
        %dma_start3A_170 = tpu.memref_slice %arg9[%run_scoped3A_84, %dma_start3A_169] : memref<8x32xi32, #tpu.memory_space<vmem>> -> memref<1x32xi32, #tpu.memory_space<vmem>>
        %dma_start3A_171 = tpu.memref_squeeze %dma_start3A_170 : memref<1x32xi32, #tpu.memory_space<vmem>> -> memref<32xi32, #tpu.memory_space<vmem>>
        %dma_start3A_172 = arith.constant 0 : i32
        %dma_start3A_173 = arith.constant 0 : i32
        %dma_start3A_174 = tpu.memref_slice %arg7[%dma_start3A_172, %dma_start3A_173] : memref<5032x128xf32, #tpu.memory_space<vmem_shared>> -> memref<5032x128xf32, #tpu.memory_space<vmem_shared>>
        tpu.enqueue_indirect_dma source(%arg11 : memref<32x128xf32, #tpu.memory_space<vmem>>) target(%dma_start3A_174 : memref<5032x128xf32, #tpu.memory_space<vmem_shared>>) offsets(%dma_start3A_171 : memref<32xi32, #tpu.memory_space<vmem>>) semaphore(%run_scoped3A_168 : memref<!tpu.dma_semaphore, #tpu.memory_space<semaphore_mem>>) {add = true}
        %dma_wait3A_175 = arith.constant 0 : i32
        %dma_wait3A_176 = tpu.memref_slice %arg9[%run_scoped3A_84, %dma_wait3A_175] : memref<8x32xi32, #tpu.memory_space<vmem>> -> memref<1x32xi32, #tpu.memory_space<vmem>>
        %dma_wait3A_177 = tpu.memref_squeeze %dma_wait3A_176 : memref<1x32xi32, #tpu.memory_space<vmem>> -> memref<32xi32, #tpu.memory_space<vmem>>
        %dma_wait3A_178 = arith.constant 0 : i32
        %dma_wait3A_179 = arith.constant 0 : i32
        %dma_wait3A_180 = tpu.memref_slice %arg7[%dma_wait3A_178, %dma_wait3A_179] : memref<5032x128xf32, #tpu.memory_space<vmem_shared>> -> memref<5032x128xf32, #tpu.memory_space<vmem_shared>>
        tpu.wait_indirect_dma semaphore(%run_scoped3A_168 : memref<!tpu.dma_semaphore, #tpu.memory_space<semaphore_mem>>) src(%arg11 : memref<32x128xf32, #tpu.memory_space<vmem>>) dst(%dma_wait3A_180 : memref<5032x128xf32, #tpu.memory_space<vmem_shared>>)
        tpu.yield
      }) : () -> ()
      %dma_start3A_85 = arith.constant 3 : i32
      %dma_start3A_86 = arith.constant 0 : i32
      %dma_start3A_87 = tpu.memref_slice %arg8[%dma_start3A_85, %dma_start3A_86] : memref<8x32xi32, #tpu.memory_space<vmem>> -> memref<1x32xi32, #tpu.memory_space<vmem>>
      %dma_start3A_88 = tpu.memref_squeeze %dma_start3A_87 : memref<1x32xi32, #tpu.memory_space<vmem>> -> memref<32xi32, #tpu.memory_space<vmem>>
      %dma_start3A_89 = arith.constant 0 : i32
      %dma_start3A_90 = arith.constant 0 : i32
      %dma_start3A_91 = tpu.memref_slice %arg6[%dma_start3A_89, %dma_start3A_90] : memref<10000x128xf32, #tpu.memory_space<vmem_shared>> -> memref<10000x128xf32, #tpu.memory_space<vmem_shared>>
      tpu.enqueue_indirect_dma source(%dma_start3A_91 : memref<10000x128xf32, #tpu.memory_space<vmem_shared>>) target(%arg11 : memref<32x128xf32, #tpu.memory_space<vmem>>) offsets(%dma_start3A_88 : memref<32xi32, #tpu.memory_space<vmem>>) semaphore(%arg13 : memref<!tpu.dma_semaphore, #tpu.memory_space<semaphore_mem>>)
      %dma_wait3A_92 = arith.constant 0 : i32
      %dma_wait3A_93 = arith.constant 0 : i32
      %dma_wait3A_94 = tpu.memref_slice %arg8[%dma_wait3A_92, %dma_wait3A_93] : memref<8x32xi32, #tpu.memory_space<vmem>> -> memref<1x32xi32, #tpu.memory_space<vmem>>
      %dma_wait3A_95 = tpu.memref_squeeze %dma_wait3A_94 : memref<1x32xi32, #tpu.memory_space<vmem>> -> memref<32xi32, #tpu.memory_space<vmem>>
      %dma_wait3A_96 = arith.constant 0 : i32
      %dma_wait3A_97 = arith.constant 0 : i32
      %dma_wait3A_98 = tpu.memref_slice %arg6[%dma_wait3A_96, %dma_wait3A_97] : memref<10000x128xf32, #tpu.memory_space<vmem_shared>> -> memref<10000x128xf32, #tpu.memory_space<vmem_shared>>
      tpu.wait_indirect_dma semaphore(%arg12 : memref<!tpu.dma_semaphore, #tpu.memory_space<semaphore_mem>>) src(%dma_wait3A_98 : memref<10000x128xf32, #tpu.memory_space<vmem_shared>>) dst(%arg10 : memref<32x128xf32, #tpu.memory_space<vmem>>)
      %run_scoped3A_99 = arith.constant 2 : i32
      "tpu.region"() ({
        %run_scoped3A_168 = tpu.sem_alloc : memref<!tpu.dma_semaphore, #tpu.memory_space<semaphore_mem>>
        %dma_start3A_169 = arith.constant 0 : i32
        %dma_start3A_170 = tpu.memref_slice %arg9[%run_scoped3A_99, %dma_start3A_169] : memref<8x32xi32, #tpu.memory_space<vmem>> -> memref<1x32xi32, #tpu.memory_space<vmem>>
        %dma_start3A_171 = tpu.memref_squeeze %dma_start3A_170 : memref<1x32xi32, #tpu.memory_space<vmem>> -> memref<32xi32, #tpu.memory_space<vmem>>
        %dma_start3A_172 = arith.constant 0 : i32
        %dma_start3A_173 = arith.constant 0 : i32
        %dma_start3A_174 = tpu.memref_slice %arg7[%dma_start3A_172, %dma_start3A_173] : memref<5032x128xf32, #tpu.memory_space<vmem_shared>> -> memref<5032x128xf32, #tpu.memory_space<vmem_shared>>
        tpu.enqueue_indirect_dma source(%arg10 : memref<32x128xf32, #tpu.memory_space<vmem>>) target(%dma_start3A_174 : memref<5032x128xf32, #tpu.memory_space<vmem_shared>>) offsets(%dma_start3A_171 : memref<32xi32, #tpu.memory_space<vmem>>) semaphore(%run_scoped3A_168 : memref<!tpu.dma_semaphore, #tpu.memory_space<semaphore_mem>>) {add = true}
        %dma_wait3A_175 = arith.constant 0 : i32
        %dma_wait3A_176 = tpu.memref_slice %arg9[%run_scoped3A_99, %dma_wait3A_175] : memref<8x32xi32, #tpu.memory_space<vmem>> -> memref<1x32xi32, #tpu.memory_space<vmem>>
        %dma_wait3A_177 = tpu.memref_squeeze %dma_wait3A_176 : memref<1x32xi32, #tpu.memory_space<vmem>> -> memref<32xi32, #tpu.memory_space<vmem>>
        %dma_wait3A_178 = arith.constant 0 : i32
        %dma_wait3A_179 = arith.constant 0 : i32
        %dma_wait3A_180 = tpu.memref_slice %arg7[%dma_wait3A_178, %dma_wait3A_179] : memref<5032x128xf32, #tpu.memory_space<vmem_shared>> -> memref<5032x128xf32, #tpu.memory_space<vmem_shared>>
        tpu.wait_indirect_dma semaphore(%run_scoped3A_168 : memref<!tpu.dma_semaphore, #tpu.memory_space<semaphore_mem>>) src(%arg10 : memref<32x128xf32, #tpu.memory_space<vmem>>) dst(%dma_wait3A_180 : memref<5032x128xf32, #tpu.memory_space<vmem_shared>>)
        tpu.yield
      }) : () -> ()
      %dma_start3A_100 = arith.constant 4 : i32
      %dma_start3A_101 = arith.constant 0 : i32
      %dma_start3A_102 = tpu.memref_slice %arg8[%dma_start3A_100, %dma_start3A_101] : memref<8x32xi32, #tpu.memory_space<vmem>> -> memref<1x32xi32, #tpu.memory_space<vmem>>
      %dma_start3A_103 = tpu.memref_squeeze %dma_start3A_102 : memref<1x32xi32, #tpu.memory_space<vmem>> -> memref<32xi32, #tpu.memory_space<vmem>>
      %dma_start3A_104 = arith.constant 0 : i32
      %dma_start3A_105 = arith.constant 0 : i32
      %dma_start3A_106 = tpu.memref_slice %arg6[%dma_start3A_104, %dma_start3A_105] : memref<10000x128xf32, #tpu.memory_space<vmem_shared>> -> memref<10000x128xf32, #tpu.memory_space<vmem_shared>>
      tpu.enqueue_indirect_dma source(%dma_start3A_106 : memref<10000x128xf32, #tpu.memory_space<vmem_shared>>) target(%arg10 : memref<32x128xf32, #tpu.memory_space<vmem>>) offsets(%dma_start3A_103 : memref<32xi32, #tpu.memory_space<vmem>>) semaphore(%arg12 : memref<!tpu.dma_semaphore, #tpu.memory_space<semaphore_mem>>)
      %dma_wait3A_107 = arith.constant 1 : i32
      %dma_wait3A_108 = arith.constant 0 : i32
      %dma_wait3A_109 = tpu.memref_slice %arg8[%dma_wait3A_107, %dma_wait3A_108] : memref<8x32xi32, #tpu.memory_space<vmem>> -> memref<1x32xi32, #tpu.memory_space<vmem>>
      %dma_wait3A_110 = tpu.memref_squeeze %dma_wait3A_109 : memref<1x32xi32, #tpu.memory_space<vmem>> -> memref<32xi32, #tpu.memory_space<vmem>>
      %dma_wait3A_111 = arith.constant 0 : i32
      %dma_wait3A_112 = arith.constant 0 : i32
      %dma_wait3A_113 = tpu.memref_slice %arg6[%dma_wait3A_111, %dma_wait3A_112] : memref<10000x128xf32, #tpu.memory_space<vmem_shared>> -> memref<10000x128xf32, #tpu.memory_space<vmem_shared>>
      tpu.wait_indirect_dma semaphore(%arg13 : memref<!tpu.dma_semaphore, #tpu.memory_space<semaphore_mem>>) src(%dma_wait3A_113 : memref<10000x128xf32, #tpu.memory_space<vmem_shared>>) dst(%arg11 : memref<32x128xf32, #tpu.memory_space<vmem>>)
      %run_scoped3A_114 = arith.constant 3 : i32
      "tpu.region"() ({
        %run_scoped3A_168 = tpu.sem_alloc : memref<!tpu.dma_semaphore, #tpu.memory_space<semaphore_mem>>
        %dma_start3A_169 = arith.constant 0 : i32
        %dma_start3A_170 = tpu.memref_slice %arg9[%run_scoped3A_114, %dma_start3A_169] : memref<8x32xi32, #tpu.memory_space<vmem>> -> memref<1x32xi32, #tpu.memory_space<vmem>>
        %dma_start3A_171 = tpu.memref_squeeze %dma_start3A_170 : memref<1x32xi32, #tpu.memory_space<vmem>> -> memref<32xi32, #tpu.memory_space<vmem>>
        %dma_start3A_172 = arith.constant 0 : i32
        %dma_start3A_173 = arith.constant 0 : i32
        %dma_start3A_174 = tpu.memref_slice %arg7[%dma_start3A_172, %dma_start3A_173] : memref<5032x128xf32, #tpu.memory_space<vmem_shared>> -> memref<5032x128xf32, #tpu.memory_space<vmem_shared>>
        tpu.enqueue_indirect_dma source(%arg11 : memref<32x128xf32, #tpu.memory_space<vmem>>) target(%dma_start3A_174 : memref<5032x128xf32, #tpu.memory_space<vmem_shared>>) offsets(%dma_start3A_171 : memref<32xi32, #tpu.memory_space<vmem>>) semaphore(%run_scoped3A_168 : memref<!tpu.dma_semaphore, #tpu.memory_space<semaphore_mem>>) {add = true}
        %dma_wait3A_175 = arith.constant 0 : i32
        %dma_wait3A_176 = tpu.memref_slice %arg9[%run_scoped3A_114, %dma_wait3A_175] : memref<8x32xi32, #tpu.memory_space<vmem>> -> memref<1x32xi32, #tpu.memory_space<vmem>>
        %dma_wait3A_177 = tpu.memref_squeeze %dma_wait3A_176 : memref<1x32xi32, #tpu.memory_space<vmem>> -> memref<32xi32, #tpu.memory_space<vmem>>
        %dma_wait3A_178 = arith.constant 0 : i32
        %dma_wait3A_179 = arith.constant 0 : i32
        %dma_wait3A_180 = tpu.memref_slice %arg7[%dma_wait3A_178, %dma_wait3A_179] : memref<5032x128xf32, #tpu.memory_space<vmem_shared>> -> memref<5032x128xf32, #tpu.memory_space<vmem_shared>>
        tpu.wait_indirect_dma semaphore(%run_scoped3A_168 : memref<!tpu.dma_semaphore, #tpu.memory_space<semaphore_mem>>) src(%arg11 : memref<32x128xf32, #tpu.memory_space<vmem>>) dst(%dma_wait3A_180 : memref<5032x128xf32, #tpu.memory_space<vmem_shared>>)
        tpu.yield
      }) : () -> ()
      %dma_start3A_115 = arith.constant 5 : i32
      %dma_start3A_116 = arith.constant 0 : i32
      %dma_start3A_117 = tpu.memref_slice %arg8[%dma_start3A_115, %dma_start3A_116] : memref<8x32xi32, #tpu.memory_space<vmem>> -> memref<1x32xi32, #tpu.memory_space<vmem>>
      %dma_start3A_118 = tpu.memref_squeeze %dma_start3A_117 : memref<1x32xi32, #tpu.memory_space<vmem>> -> memref<32xi32, #tpu.memory_space<vmem>>
      %dma_start3A_119 = arith.constant 0 : i32
      %dma_start3A_120 = arith.constant 0 : i32
      %dma_start3A_121 = tpu.memref_slice %arg6[%dma_start3A_119, %dma_start3A_120] : memref<10000x128xf32, #tpu.memory_space<vmem_shared>> -> memref<10000x128xf32, #tpu.memory_space<vmem_shared>>
      tpu.enqueue_indirect_dma source(%dma_start3A_121 : memref<10000x128xf32, #tpu.memory_space<vmem_shared>>) target(%arg11 : memref<32x128xf32, #tpu.memory_space<vmem>>) offsets(%dma_start3A_118 : memref<32xi32, #tpu.memory_space<vmem>>) semaphore(%arg13 : memref<!tpu.dma_semaphore, #tpu.memory_space<semaphore_mem>>)
      %dma_wait3A_122 = arith.constant 0 : i32
      %dma_wait3A_123 = arith.constant 0 : i32
      %dma_wait3A_124 = tpu.memref_slice %arg8[%dma_wait3A_122, %dma_wait3A_123] : memref<8x32xi32, #tpu.memory_space<vmem>> -> memref<1x32xi32, #tpu.memory_space<vmem>>
      %dma_wait3A_125 = tpu.memref_squeeze %dma_wait3A_124 : memref<1x32xi32, #tpu.memory_space<vmem>> -> memref<32xi32, #tpu.memory_space<vmem>>
      %dma_wait3A_126 = arith.constant 0 : i32
      %dma_wait3A_127 = arith.constant 0 : i32
      %dma_wait3A_128 = tpu.memref_slice %arg6[%dma_wait3A_126, %dma_wait3A_127] : memref<10000x128xf32, #tpu.memory_space<vmem_shared>> -> memref<10000x128xf32, #tpu.memory_space<vmem_shared>>
      tpu.wait_indirect_dma semaphore(%arg12 : memref<!tpu.dma_semaphore, #tpu.memory_space<semaphore_mem>>) src(%dma_wait3A_128 : memref<10000x128xf32, #tpu.memory_space<vmem_shared>>) dst(%arg10 : memref<32x128xf32, #tpu.memory_space<vmem>>)
      %run_scoped3A_129 = arith.constant 4 : i32
      "tpu.region"() ({
        %run_scoped3A_168 = tpu.sem_alloc : memref<!tpu.dma_semaphore, #tpu.memory_space<semaphore_mem>>
        %dma_start3A_169 = arith.constant 0 : i32
        %dma_start3A_170 = tpu.memref_slice %arg9[%run_scoped3A_129, %dma_start3A_169] : memref<8x32xi32, #tpu.memory_space<vmem>> -> memref<1x32xi32, #tpu.memory_space<vmem>>
        %dma_start3A_171 = tpu.memref_squeeze %dma_start3A_170 : memref<1x32xi32, #tpu.memory_space<vmem>> -> memref<32xi32, #tpu.memory_space<vmem>>
        %dma_start3A_172 = arith.constant 0 : i32
        %dma_start3A_173 = arith.constant 0 : i32
        %dma_start3A_174 = tpu.memref_slice %arg7[%dma_start3A_172, %dma_start3A_173] : memref<5032x128xf32, #tpu.memory_space<vmem_shared>> -> memref<5032x128xf32, #tpu.memory_space<vmem_shared>>
        tpu.enqueue_indirect_dma source(%arg10 : memref<32x128xf32, #tpu.memory_space<vmem>>) target(%dma_start3A_174 : memref<5032x128xf32, #tpu.memory_space<vmem_shared>>) offsets(%dma_start3A_171 : memref<32xi32, #tpu.memory_space<vmem>>) semaphore(%run_scoped3A_168 : memref<!tpu.dma_semaphore, #tpu.memory_space<semaphore_mem>>) {add = true}
        %dma_wait3A_175 = arith.constant 0 : i32
        %dma_wait3A_176 = tpu.memref_slice %arg9[%run_scoped3A_129, %dma_wait3A_175] : memref<8x32xi32, #tpu.memory_space<vmem>> -> memref<1x32xi32, #tpu.memory_space<vmem>>
        %dma_wait3A_177 = tpu.memref_squeeze %dma_wait3A_176 : memref<1x32xi32, #tpu.memory_space<vmem>> -> memref<32xi32, #tpu.memory_space<vmem>>
        %dma_wait3A_178 = arith.constant 0 : i32
        %dma_wait3A_179 = arith.constant 0 : i32
        %dma_wait3A_180 = tpu.memref_slice %arg7[%dma_wait3A_178, %dma_wait3A_179] : memref<5032x128xf32, #tpu.memory_space<vmem_shared>> -> memref<5032x128xf32, #tpu.memory_space<vmem_shared>>
        tpu.wait_indirect_dma semaphore(%run_scoped3A_168 : memref<!tpu.dma_semaphore, #tpu.memory_space<semaphore_mem>>) src(%arg10 : memref<32x128xf32, #tpu.memory_space<vmem>>) dst(%dma_wait3A_180 : memref<5032x128xf32, #tpu.memory_space<vmem_shared>>)
        tpu.yield
      }) : () -> ()
      %dma_start3A_130 = arith.constant 6 : i32
      %dma_start3A_131 = arith.constant 0 : i32
      %dma_start3A_132 = tpu.memref_slice %arg8[%dma_start3A_130, %dma_start3A_131] : memref<8x32xi32, #tpu.memory_space<vmem>> -> memref<1x32xi32, #tpu.memory_space<vmem>>
      %dma_start3A_133 = tpu.memref_squeeze %dma_start3A_132 : memref<1x32xi32, #tpu.memory_space<vmem>> -> memref<32xi32, #tpu.memory_space<vmem>>
      %dma_start3A_134 = arith.constant 0 : i32
      %dma_start3A_135 = arith.constant 0 : i32
      %dma_start3A_136 = tpu.memref_slice %arg6[%dma_start3A_134, %dma_start3A_135] : memref<10000x128xf32, #tpu.memory_space<vmem_shared>> -> memref<10000x128xf32, #tpu.memory_space<vmem_shared>>
      tpu.enqueue_indirect_dma source(%dma_start3A_136 : memref<10000x128xf32, #tpu.memory_space<vmem_shared>>) target(%arg10 : memref<32x128xf32, #tpu.memory_space<vmem>>) offsets(%dma_start3A_133 : memref<32xi32, #tpu.memory_space<vmem>>) semaphore(%arg12 : memref<!tpu.dma_semaphore, #tpu.memory_space<semaphore_mem>>)
      %dma_wait3A_137 = arith.constant 1 : i32
      %dma_wait3A_138 = arith.constant 0 : i32
      %dma_wait3A_139 = tpu.memref_slice %arg8[%dma_wait3A_137, %dma_wait3A_138] : memref<8x32xi32, #tpu.memory_space<vmem>> -> memref<1x32xi32, #tpu.memory_space<vmem>>
      %dma_wait3A_140 = tpu.memref_squeeze %dma_wait3A_139 : memref<1x32xi32, #tpu.memory_space<vmem>> -> memref<32xi32, #tpu.memory_space<vmem>>
      %dma_wait3A_141 = arith.constant 0 : i32
      %dma_wait3A_142 = arith.constant 0 : i32
      %dma_wait3A_143 = tpu.memref_slice %arg6[%dma_wait3A_141, %dma_wait3A_142] : memref<10000x128xf32, #tpu.memory_space<vmem_shared>> -> memref<10000x128xf32, #tpu.memory_space<vmem_shared>>
      tpu.wait_indirect_dma semaphore(%arg13 : memref<!tpu.dma_semaphore, #tpu.memory_space<semaphore_mem>>) src(%dma_wait3A_143 : memref<10000x128xf32, #tpu.memory_space<vmem_shared>>) dst(%arg11 : memref<32x128xf32, #tpu.memory_space<vmem>>)
      %run_scoped3A_144 = arith.constant 5 : i32
      "tpu.region"() ({
        %run_scoped3A_168 = tpu.sem_alloc : memref<!tpu.dma_semaphore, #tpu.memory_space<semaphore_mem>>
        %dma_start3A_169 = arith.constant 0 : i32
        %dma_start3A_170 = tpu.memref_slice %arg9[%run_scoped3A_144, %dma_start3A_169] : memref<8x32xi32, #tpu.memory_space<vmem>> -> memref<1x32xi32, #tpu.memory_space<vmem>>
        %dma_start3A_171 = tpu.memref_squeeze %dma_start3A_170 : memref<1x32xi32, #tpu.memory_space<vmem>> -> memref<32xi32, #tpu.memory_space<vmem>>
        %dma_start3A_172 = arith.constant 0 : i32
        %dma_start3A_173 = arith.constant 0 : i32
        %dma_start3A_174 = tpu.memref_slice %arg7[%dma_start3A_172, %dma_start3A_173] : memref<5032x128xf32, #tpu.memory_space<vmem_shared>> -> memref<5032x128xf32, #tpu.memory_space<vmem_shared>>
        tpu.enqueue_indirect_dma source(%arg11 : memref<32x128xf32, #tpu.memory_space<vmem>>) target(%dma_start3A_174 : memref<5032x128xf32, #tpu.memory_space<vmem_shared>>) offsets(%dma_start3A_171 : memref<32xi32, #tpu.memory_space<vmem>>) semaphore(%run_scoped3A_168 : memref<!tpu.dma_semaphore, #tpu.memory_space<semaphore_mem>>) {add = true}
        %dma_wait3A_175 = arith.constant 0 : i32
        %dma_wait3A_176 = tpu.memref_slice %arg9[%run_scoped3A_144, %dma_wait3A_175] : memref<8x32xi32, #tpu.memory_space<vmem>> -> memref<1x32xi32, #tpu.memory_space<vmem>>
        %dma_wait3A_177 = tpu.memref_squeeze %dma_wait3A_176 : memref<1x32xi32, #tpu.memory_space<vmem>> -> memref<32xi32, #tpu.memory_space<vmem>>
        %dma_wait3A_178 = arith.constant 0 : i32
        %dma_wait3A_179 = arith.constant 0 : i32
        %dma_wait3A_180 = tpu.memref_slice %arg7[%dma_wait3A_178, %dma_wait3A_179] : memref<5032x128xf32, #tpu.memory_space<vmem_shared>> -> memref<5032x128xf32, #tpu.memory_space<vmem_shared>>
        tpu.wait_indirect_dma semaphore(%run_scoped3A_168 : memref<!tpu.dma_semaphore, #tpu.memory_space<semaphore_mem>>) src(%arg11 : memref<32x128xf32, #tpu.memory_space<vmem>>) dst(%dma_wait3A_180 : memref<5032x128xf32, #tpu.memory_space<vmem_shared>>)
        tpu.yield
      }) : () -> ()
      %dma_start3A_145 = arith.constant 7 : i32
      %dma_start3A_146 = arith.constant 0 : i32
      %dma_start3A_147 = tpu.memref_slice %arg8[%dma_start3A_145, %dma_start3A_146] : memref<8x32xi32, #tpu.memory_space<vmem>> -> memref<1x32xi32, #tpu.memory_space<vmem>>
      %dma_start3A_148 = tpu.memref_squeeze %dma_start3A_147 : memref<1x32xi32, #tpu.memory_space<vmem>> -> memref<32xi32, #tpu.memory_space<vmem>>
      %dma_start3A_149 = arith.constant 0 : i32
      %dma_start3A_150 = arith.constant 0 : i32
      %dma_start3A_151 = tpu.memref_slice %arg6[%dma_start3A_149, %dma_start3A_150] : memref<10000x128xf32, #tpu.memory_space<vmem_shared>> -> memref<10000x128xf32, #tpu.memory_space<vmem_shared>>
      tpu.enqueue_indirect_dma source(%dma_start3A_151 : memref<10000x128xf32, #tpu.memory_space<vmem_shared>>) target(%arg11 : memref<32x128xf32, #tpu.memory_space<vmem>>) offsets(%dma_start3A_148 : memref<32xi32, #tpu.memory_space<vmem>>) semaphore(%arg13 : memref<!tpu.dma_semaphore, #tpu.memory_space<semaphore_mem>>)
      %dma_wait3A_152 = arith.constant 0 : i32
      %dma_wait3A_153 = arith.constant 0 : i32
      %dma_wait3A_154 = tpu.memref_slice %arg8[%dma_wait3A_152, %dma_wait3A_153] : memref<8x32xi32, #tpu.memory_space<vmem>> -> memref<1x32xi32, #tpu.memory_space<vmem>>
      %dma_wait3A_155 = tpu.memref_squeeze %dma_wait3A_154 : memref<1x32xi32, #tpu.memory_space<vmem>> -> memref<32xi32, #tpu.memory_space<vmem>>
      %dma_wait3A_156 = arith.constant 0 : i32
      %dma_wait3A_157 = arith.constant 0 : i32
      %dma_wait3A_158 = tpu.memref_slice %arg6[%dma_wait3A_156, %dma_wait3A_157] : memref<10000x128xf32, #tpu.memory_space<vmem_shared>> -> memref<10000x128xf32, #tpu.memory_space<vmem_shared>>
      tpu.wait_indirect_dma semaphore(%arg12 : memref<!tpu.dma_semaphore, #tpu.memory_space<semaphore_mem>>) src(%dma_wait3A_158 : memref<10000x128xf32, #tpu.memory_space<vmem_shared>>) dst(%arg10 : memref<32x128xf32, #tpu.memory_space<vmem>>)
      %run_scoped3A_159 = arith.constant 6 : i32
      "tpu.region"() ({
        %run_scoped3A_168 = tpu.sem_alloc : memref<!tpu.dma_semaphore, #tpu.memory_space<semaphore_mem>>
        %dma_start3A_169 = arith.constant 0 : i32
        %dma_start3A_170 = tpu.memref_slice %arg9[%run_scoped3A_159, %dma_start3A_169] : memref<8x32xi32, #tpu.memory_space<vmem>> -> memref<1x32xi32, #tpu.memory_space<vmem>>
        %dma_start3A_171 = tpu.memref_squeeze %dma_start3A_170 : memref<1x32xi32, #tpu.memory_space<vmem>> -> memref<32xi32, #tpu.memory_space<vmem>>
        %dma_start3A_172 = arith.constant 0 : i32
        %dma_start3A_173 = arith.constant 0 : i32
        %dma_start3A_174 = tpu.memref_slice %arg7[%dma_start3A_172, %dma_start3A_173] : memref<5032x128xf32, #tpu.memory_space<vmem_shared>> -> memref<5032x128xf32, #tpu.memory_space<vmem_shared>>
        tpu.enqueue_indirect_dma source(%arg10 : memref<32x128xf32, #tpu.memory_space<vmem>>) target(%dma_start3A_174 : memref<5032x128xf32, #tpu.memory_space<vmem_shared>>) offsets(%dma_start3A_171 : memref<32xi32, #tpu.memory_space<vmem>>) semaphore(%run_scoped3A_168 : memref<!tpu.dma_semaphore, #tpu.memory_space<semaphore_mem>>) {add = true}
        %dma_wait3A_175 = arith.constant 0 : i32
        %dma_wait3A_176 = tpu.memref_slice %arg9[%run_scoped3A_159, %dma_wait3A_175] : memref<8x32xi32, #tpu.memory_space<vmem>> -> memref<1x32xi32, #tpu.memory_space<vmem>>
        %dma_wait3A_177 = tpu.memref_squeeze %dma_wait3A_176 : memref<1x32xi32, #tpu.memory_space<vmem>> -> memref<32xi32, #tpu.memory_space<vmem>>
        %dma_wait3A_178 = arith.constant 0 : i32
        %dma_wait3A_179 = arith.constant 0 : i32
        %dma_wait3A_180 = tpu.memref_slice %arg7[%dma_wait3A_178, %dma_wait3A_179] : memref<5032x128xf32, #tpu.memory_space<vmem_shared>> -> memref<5032x128xf32, #tpu.memory_space<vmem_shared>>
        tpu.wait_indirect_dma semaphore(%run_scoped3A_168 : memref<!tpu.dma_semaphore, #tpu.memory_space<semaphore_mem>>) src(%arg10 : memref<32x128xf32, #tpu.memory_space<vmem>>) dst(%dma_wait3A_180 : memref<5032x128xf32, #tpu.memory_space<vmem_shared>>)
        tpu.yield
      }) : () -> ()
      %dma_wait3A_160 = arith.constant 1 : i32
      %dma_wait3A_161 = arith.constant 0 : i32
      %dma_wait3A_162 = tpu.memref_slice %arg8[%dma_wait3A_160, %dma_wait3A_161] : memref<8x32xi32, #tpu.memory_space<vmem>> -> memref<1x32xi32, #tpu.memory_space<vmem>>
      %dma_wait3A_163 = tpu.memref_squeeze %dma_wait3A_162 : memref<1x32xi32, #tpu.memory_space<vmem>> -> memref<32xi32, #tpu.memory_space<vmem>>
      %dma_wait3A_164 = arith.constant 0 : i32
      %dma_wait3A_165 = arith.constant 0 : i32
      %dma_wait3A_166 = tpu.memref_slice %arg6[%dma_wait3A_164, %dma_wait3A_165] : memref<10000x128xf32, #tpu.memory_space<vmem_shared>> -> memref<10000x128xf32, #tpu.memory_space<vmem_shared>>
      tpu.wait_indirect_dma semaphore(%arg13 : memref<!tpu.dma_semaphore, #tpu.memory_space<semaphore_mem>>) src(%dma_wait3A_166 : memref<10000x128xf32, #tpu.memory_space<vmem_shared>>) dst(%arg11 : memref<32x128xf32, #tpu.memory_space<vmem>>)
      %run_scoped3A_167 = arith.constant 7 : i32
      "tpu.region"() ({
        %run_scoped3A_168 = tpu.sem_alloc : memref<!tpu.dma_semaphore, #tpu.memory_space<semaphore_mem>>
        %dma_start3A_169 = arith.constant 0 : i32
        %dma_start3A_170 = tpu.memref_slice %arg9[%run_scoped3A_167, %dma_start3A_169] : memref<8x32xi32, #tpu.memory_space<vmem>> -> memref<1x32xi32, #tpu.memory_space<vmem>>
        %dma_start3A_171 = tpu.memref_squeeze %dma_start3A_170 : memref<1x32xi32, #tpu.memory_space<vmem>> -> memref<32xi32, #tpu.memory_space<vmem>>
        %dma_start3A_172 = arith.constant 0 : i32
        %dma_start3A_173 = arith.constant 0 : i32
        %dma_start3A_174 = tpu.memref_slice %arg7[%dma_start3A_172, %dma_start3A_173] : memref<5032x128xf32, #tpu.memory_space<vmem_shared>> -> memref<5032x128xf32, #tpu.memory_space<vmem_shared>>
        tpu.enqueue_indirect_dma source(%arg11 : memref<32x128xf32, #tpu.memory_space<vmem>>) target(%dma_start3A_174 : memref<5032x128xf32, #tpu.memory_space<vmem_shared>>) offsets(%dma_start3A_171 : memref<32xi32, #tpu.memory_space<vmem>>) semaphore(%run_scoped3A_168 : memref<!tpu.dma_semaphore, #tpu.memory_space<semaphore_mem>>) {add = true}
        %dma_wait3A_175 = arith.constant 0 : i32
        %dma_wait3A_176 = tpu.memref_slice %arg9[%run_scoped3A_167, %dma_wait3A_175] : memref<8x32xi32, #tpu.memory_space<vmem>> -> memref<1x32xi32, #tpu.memory_space<vmem>>
        %dma_wait3A_177 = tpu.memref_squeeze %dma_wait3A_176 : memref<1x32xi32, #tpu.memory_space<vmem>> -> memref<32xi32, #tpu.memory_space<vmem>>
        %dma_wait3A_178 = arith.constant 0 : i32
        %dma_wait3A_179 = arith.constant 0 : i32
        %dma_wait3A_180 = tpu.memref_slice %arg7[%dma_wait3A_178, %dma_wait3A_179] : memref<5032x128xf32, #tpu.memory_space<vmem_shared>> -> memref<5032x128xf32, #tpu.memory_space<vmem_shared>>
        tpu.wait_indirect_dma semaphore(%run_scoped3A_168 : memref<!tpu.dma_semaphore, #tpu.memory_space<semaphore_mem>>) src(%arg11 : memref<32x128xf32, #tpu.memory_space<vmem>>) dst(%dma_wait3A_180 : memref<5032x128xf32, #tpu.memory_space<vmem_shared>>)
        tpu.yield
      }) : () -> ()
    }
    %scan3A_31 = arith.constant 40 : i32
    %barrier3A_32 = arith.constant 0 : index
    tpu.barrier barrier_id(%barrier3A_32)
    %lt3A_33 = arith.constant 15 : i32
    %lt3A_34 = arith.cmpi slt, %arg1, %lt3A_33 : i32
    %convert_element_type3A_35 = arith.extui %lt3A_34 : i1 to i32
    %cond3A_36 = arith.constant 0 : i32
    %cond3A_37 = arith.cmpi ne, %convert_element_type3A_35, %cond3A_36 : i32
    scf.if %cond3A_37 {
      %mul3A_43 = arith.constant 320 : i32
      %mul3A_44 = arith.muli %arg1, %mul3A_43 : i32
      %mul3A_45 = arith.constant 320 : i32
      %mul3A_46 = arith.muli %arg1, %mul3A_45 : i32
      "tpu.region"() ({
        %run_scoped3A = tpu.sem_alloc : memref<!tpu.dma_semaphore, #tpu.memory_space<semaphore_mem>>
        %dma_start3A = arith.constant 0 : i32
        %dma_start3A_47 = tpu.memref_slice %arg5[%arg0, %mul3A_46, %dma_start3A] : memref<2x5032x128xf32, #tpu.memory_space<hbm>> -> memref<1x320x128xf32, #tpu.memory_space<hbm>>
        %dma_start3A_48 = tpu.memref_squeeze %dma_start3A_47 : memref<1x320x128xf32, #tpu.memory_space<hbm>> -> memref<320x128xf32, #tpu.memory_space<hbm>>
        %dma_start3A_49 = arith.constant 0 : i32
        %dma_start3A_50 = tpu.memref_slice %arg7[%mul3A_44, %dma_start3A_49] : memref<5032x128xf32, #tpu.memory_space<vmem_shared>> -> memref<320x128xf32, #tpu.memory_space<vmem_shared>>
        tpu.enqueue_dma source(%dma_start3A_50 : memref<320x128xf32, #tpu.memory_space<vmem_shared>>) target(%dma_start3A_48 : memref<320x128xf32, #tpu.memory_space<hbm>>) target_semaphore(%run_scoped3A : memref<!tpu.dma_semaphore, #tpu.memory_space<semaphore_mem>>)
        %dma_wait3A = arith.constant 0 : i32
        %dma_wait3A_51 = tpu.memref_slice %arg5[%arg0, %mul3A_46, %dma_wait3A] : memref<2x5032x128xf32, #tpu.memory_space<hbm>> -> memref<1x320x128xf32, #tpu.memory_space<hbm>>
        %dma_wait3A_52 = tpu.memref_squeeze %dma_wait3A_51 : memref<1x320x128xf32, #tpu.memory_space<hbm>> -> memref<320x128xf32, #tpu.memory_space<hbm>>
        %dma_wait3A_53 = arith.constant 0 : i32
        %dma_wait3A_54 = tpu.memref_slice %arg7[%mul3A_44, %dma_wait3A_53] : memref<5032x128xf32, #tpu.memory_space<vmem_shared>> -> memref<320x128xf32, #tpu.memory_space<vmem_shared>>
        tpu.wait_dma2 semaphore(%run_scoped3A : memref<!tpu.dma_semaphore, #tpu.memory_space<semaphore_mem>>) src(%dma_wait3A_54 : memref<320x128xf32, #tpu.memory_space<vmem_shared>>) dst(%dma_wait3A_52 : memref<320x128xf32, #tpu.memory_space<hbm>>)
        tpu.yield
      }) : () -> ()
    } else {
    }
    %eq3A_38 = arith.constant 15 : i32
    %eq3A_39 = arith.cmpi eq, %arg1, %eq3A_38 : i32
    %convert_element_type3A_40 = arith.extui %eq3A_39 : i1 to i32
    %cond3A_41 = arith.constant 0 : i32
    %cond3A_42 = arith.cmpi ne, %convert_element_type3A_40, %cond3A_41 : i32
    scf.if %cond3A_42 {
      "tpu.region"() ({
        %run_scoped3A = tpu.sem_alloc : memref<!tpu.dma_semaphore, #tpu.memory_space<semaphore_mem>>
        %dma_start3A = arith.constant 4800 : i32
        %dma_start3A_43 = arith.constant 0 : i32
        %dma_start3A_44 = tpu.memref_slice %arg5[%arg0, %dma_start3A, %dma_start3A_43] : memref<2x5032x128xf32, #tpu.memory_space<hbm>> -> memref<1x232x128xf32, #tpu.memory_space<hbm>>
        %dma_start3A_45 = tpu.memref_squeeze %dma_start3A_44 : memref<1x232x128xf32, #tpu.memory_space<hbm>> -> memref<232x128xf32, #tpu.memory_space<hbm>>
        %dma_start3A_46 = arith.constant 4800 : i32
        %dma_start3A_47 = arith.constant 0 : i32
        %dma_start3A_48 = tpu.memref_slice %arg7[%dma_start3A_46, %dma_start3A_47] : memref<5032x128xf32, #tpu.memory_space<vmem_shared>> -> memref<232x128xf32, #tpu.memory_space<vmem_shared>>
        tpu.enqueue_dma source(%dma_start3A_48 : memref<232x128xf32, #tpu.memory_space<vmem_shared>>) target(%dma_start3A_45 : memref<232x128xf32, #tpu.memory_space<hbm>>) target_semaphore(%run_scoped3A : memref<!tpu.dma_semaphore, #tpu.memory_space<semaphore_mem>>)
        %dma_wait3A = arith.constant 4800 : i32
        %dma_wait3A_49 = arith.constant 0 : i32
        %dma_wait3A_50 = tpu.memref_slice %arg5[%arg0, %dma_wait3A, %dma_wait3A_49] : memref<2x5032x128xf32, #tpu.memory_space<hbm>> -> memref<1x232x128xf32, #tpu.memory_space<hbm>>
        %dma_wait3A_51 = tpu.memref_squeeze %dma_wait3A_50 : memref<1x232x128xf32, #tpu.memory_space<hbm>> -> memref<232x128xf32, #tpu.memory_space<hbm>>
        %dma_wait3A_52 = arith.constant 4800 : i32
        %dma_wait3A_53 = arith.constant 0 : i32
        %dma_wait3A_54 = tpu.memref_slice %arg7[%dma_wait3A_52, %dma_wait3A_53] : memref<5032x128xf32, #tpu.memory_space<vmem_shared>> -> memref<232x128xf32, #tpu.memory_space<vmem_shared>>
        tpu.wait_dma2 semaphore(%run_scoped3A : memref<!tpu.dma_semaphore, #tpu.memory_space<semaphore_mem>>) src(%dma_wait3A_54 : memref<232x128xf32, #tpu.memory_space<vmem_shared>>) dst(%dma_wait3A_51 : memref<232x128xf32, #tpu.memory_space<hbm>>)
        tpu.yield
      }) : () -> ()
    } else {
    }
    return
  }
}

#map = affine_map<(d0, d1) -> (0, 0, 0)>
#map1 = affine_map<(d0, d1) -> (0)>
module attributes {stable_mosaic.version = 14 : i64} {
  func.func @_deg_kernel(%arg0: i32, %arg1: i32, %arg2: memref<32x80x128xi32, #tpu.memory_space<hbm>>, %arg3: memref<10240xf32, #tpu.memory_space<hbm>>, %arg4: memref<10240xf32, #tpu.memory_space<hbm>>, %arg5: memref<10240xf32, #tpu.memory_space<hbm>>, %arg6: memref<10240xf32, #tpu.memory_space<vmem_shared>>, %arg7: memref<80x128xi32, #tpu.memory_space<vmem>>, %arg8: memref<128xf32, #tpu.memory_space<vmem>>) attributes {dimension_semantics = [#tpu.dimension_semantics<core_parallel>, #tpu.dimension_semantics<subcore_parallel>], iteration_bounds = array<i64: 2, 16>, scalar_prefetch = 0 : i64, scratch_operands = 3 : i64, tpu.core_type = #tpu.core_type<sc_vector_subcore>, window_params = [{transform_indices = #map}, {transform_indices = #map1}, {transform_indices = #map1}, {transform_indices = #map1}]} {
    %mul3A = arith.constant 16 : i32
    %mul3A_0 = arith.muli %arg0, %mul3A : i32
    %add3A = arith.addi %mul3A_0, %arg1 : i32
    "tpu.region"() ({
      %run_scoped3A = tpu.sem_alloc : memref<!tpu.dma_semaphore, #tpu.memory_space<semaphore_mem>>
      %dma_start3A = arith.constant 0 : i32
      %dma_start3A_67 = arith.constant 0 : i32
      %dma_start3A_68 = tpu.memref_slice %arg2[%add3A, %dma_start3A, %dma_start3A_67] : memref<32x80x128xi32, #tpu.memory_space<hbm>> -> memref<1x80x128xi32, #tpu.memory_space<hbm>>
      %dma_start3A_69 = tpu.memref_squeeze %dma_start3A_68 : memref<1x80x128xi32, #tpu.memory_space<hbm>> -> memref<80x128xi32, #tpu.memory_space<hbm>>
      %dma_start3A_70 = arith.constant 0 : i32
      %dma_start3A_71 = arith.constant 0 : i32
      %dma_start3A_72 = tpu.memref_slice %arg2[%add3A, %dma_start3A_70, %dma_start3A_71] : memref<32x80x128xi32, #tpu.memory_space<hbm>> -> memref<1x80x128xi32, #tpu.memory_space<hbm>>
      %dma_start3A_73 = tpu.memref_squeeze %dma_start3A_72 : memref<1x80x128xi32, #tpu.memory_space<hbm>> -> memref<80x128xi32, #tpu.memory_space<hbm>>
      tpu.enqueue_dma source(%dma_start3A_73 : memref<80x128xi32, #tpu.memory_space<hbm>>) target(%arg7 : memref<80x128xi32, #tpu.memory_space<vmem>>) target_semaphore(%run_scoped3A : memref<!tpu.dma_semaphore, #tpu.memory_space<semaphore_mem>>)
      %dma_wait3A = arith.constant 0 : i32
      %dma_wait3A_74 = arith.constant 0 : i32
      %dma_wait3A_75 = tpu.memref_slice %arg2[%add3A, %dma_wait3A, %dma_wait3A_74] : memref<32x80x128xi32, #tpu.memory_space<hbm>> -> memref<1x80x128xi32, #tpu.memory_space<hbm>>
      %dma_wait3A_76 = tpu.memref_squeeze %dma_wait3A_75 : memref<1x80x128xi32, #tpu.memory_space<hbm>> -> memref<80x128xi32, #tpu.memory_space<hbm>>
      %dma_wait3A_77 = arith.constant 0 : i32
      %dma_wait3A_78 = arith.constant 0 : i32
      %dma_wait3A_79 = tpu.memref_slice %arg2[%add3A, %dma_wait3A_77, %dma_wait3A_78] : memref<32x80x128xi32, #tpu.memory_space<hbm>> -> memref<1x80x128xi32, #tpu.memory_space<hbm>>
      %dma_wait3A_80 = tpu.memref_squeeze %dma_wait3A_79 : memref<1x80x128xi32, #tpu.memory_space<hbm>> -> memref<80x128xi32, #tpu.memory_space<hbm>>
      tpu.wait_dma2 semaphore(%run_scoped3A : memref<!tpu.dma_semaphore, #tpu.memory_space<semaphore_mem>>) src(%dma_wait3A_80 : memref<80x128xi32, #tpu.memory_space<hbm>>) dst(%arg7 : memref<80x128xi32, #tpu.memory_space<vmem>>)
      tpu.yield
    }) : () -> ()
    %broadcast_in_dim3A = arith.constant 1.000000e+00 : f32
    %broadcast_in_dim3A_1 = vector.broadcast %broadcast_in_dim3A : f32 to vector<16xf32>
    %swap3A = arith.constant 0 : index
    %swap3A_2 = tpu.vector_load %arg8[%swap3A] {strides = array<i32>} : memref<128xf32, #tpu.memory_space<vmem>>, vector<16xf32>,
    %swap3A_3 = vector.shape_cast %swap3A_2 : vector<16xf32> to vector<16xf32>
    %swap3A_4 = vector.shape_cast %broadcast_in_dim3A_1 : vector<16xf32> to vector<16xf32>
    tpu.vector_store %arg8[%swap3A], %swap3A_4 {strides = array<i32>} : memref<128xf32, #tpu.memory_space<vmem>>, vector<16xf32>,
    %broadcast_in_dim3A_5 = arith.constant 1.000000e+00 : f32
    %broadcast_in_dim3A_6 = vector.broadcast %broadcast_in_dim3A_5 : f32 to vector<16xf32>
    %swap3A_7 = arith.constant 16 : index
    %swap3A_8 = tpu.vector_load %arg8[%swap3A_7] {strides = array<i32>} : memref<128xf32, #tpu.memory_space<vmem>>, vector<16xf32>,
    %swap3A_9 = vector.shape_cast %swap3A_8 : vector<16xf32> to vector<16xf32>
    %swap3A_10 = vector.shape_cast %broadcast_in_dim3A_6 : vector<16xf32> to vector<16xf32>
    tpu.vector_store %arg8[%swap3A_7], %swap3A_10 {strides = array<i32>} : memref<128xf32, #tpu.memory_space<vmem>>, vector<16xf32>,
    %broadcast_in_dim3A_11 = arith.constant 1.000000e+00 : f32
    %broadcast_in_dim3A_12 = vector.broadcast %broadcast_in_dim3A_11 : f32 to vector<16xf32>
    %swap3A_13 = arith.constant 32 : index
    %swap3A_14 = tpu.vector_load %arg8[%swap3A_13] {strides = array<i32>} : memref<128xf32, #tpu.memory_space<vmem>>, vector<16xf32>,
    %swap3A_15 = vector.shape_cast %swap3A_14 : vector<16xf32> to vector<16xf32>
    %swap3A_16 = vector.shape_cast %broadcast_in_dim3A_12 : vector<16xf32> to vector<16xf32>
    tpu.vector_store %arg8[%swap3A_13], %swap3A_16 {strides = array<i32>} : memref<128xf32, #tpu.memory_space<vmem>>, vector<16xf32>,
    %broadcast_in_dim3A_17 = arith.constant 1.000000e+00 : f32
    %broadcast_in_dim3A_18 = vector.broadcast %broadcast_in_dim3A_17 : f32 to vector<16xf32>
    %swap3A_19 = arith.constant 48 : index
    %swap3A_20 = tpu.vector_load %arg8[%swap3A_19] {strides = array<i32>} : memref<128xf32, #tpu.memory_space<vmem>>, vector<16xf32>,
    %swap3A_21 = vector.shape_cast %swap3A_20 : vector<16xf32> to vector<16xf32>
    %swap3A_22 = vector.shape_cast %broadcast_in_dim3A_18 : vector<16xf32> to vector<16xf32>
    tpu.vector_store %arg8[%swap3A_19], %swap3A_22 {strides = array<i32>} : memref<128xf32, #tpu.memory_space<vmem>>, vector<16xf32>,
    %broadcast_in_dim3A_23 = arith.constant 1.000000e+00 : f32
    %broadcast_in_dim3A_24 = vector.broadcast %broadcast_in_dim3A_23 : f32 to vector<16xf32>
    %swap3A_25 = arith.constant 64 : index
    %swap3A_26 = tpu.vector_load %arg8[%swap3A_25] {strides = array<i32>} : memref<128xf32, #tpu.memory_space<vmem>>, vector<16xf32>,
    %swap3A_27 = vector.shape_cast %swap3A_26 : vector<16xf32> to vector<16xf32>
    %swap3A_28 = vector.shape_cast %broadcast_in_dim3A_24 : vector<16xf32> to vector<16xf32>
    tpu.vector_store %arg8[%swap3A_25], %swap3A_28 {strides = array<i32>} : memref<128xf32, #tpu.memory_space<vmem>>, vector<16xf32>,
    %broadcast_in_dim3A_29 = arith.constant 1.000000e+00 : f32
    %broadcast_in_dim3A_30 = vector.broadcast %broadcast_in_dim3A_29 : f32 to vector<16xf32>
    %swap3A_31 = arith.constant 80 : index
    %swap3A_32 = tpu.vector_load %arg8[%swap3A_31] {strides = array<i32>} : memref<128xf32, #tpu.memory_space<vmem>>, vector<16xf32>,
    %swap3A_33 = vector.shape_cast %swap3A_32 : vector<16xf32> to vector<16xf32>
    %swap3A_34 = vector.shape_cast %broadcast_in_dim3A_30 : vector<16xf32> to vector<16xf32>
    tpu.vector_store %arg8[%swap3A_31], %swap3A_34 {strides = array<i32>} : memref<128xf32, #tpu.memory_space<vmem>>, vector<16xf32>,
    %broadcast_in_dim3A_35 = arith.constant 1.000000e+00 : f32
    %broadcast_in_dim3A_36 = vector.broadcast %broadcast_in_dim3A_35 : f32 to vector<16xf32>
    %swap3A_37 = arith.constant 96 : index
    %swap3A_38 = tpu.vector_load %arg8[%swap3A_37] {strides = array<i32>} : memref<128xf32, #tpu.memory_space<vmem>>, vector<16xf32>,
    %swap3A_39 = vector.shape_cast %swap3A_38 : vector<16xf32> to vector<16xf32>
    %swap3A_40 = vector.shape_cast %broadcast_in_dim3A_36 : vector<16xf32> to vector<16xf32>
    tpu.vector_store %arg8[%swap3A_37], %swap3A_40 {strides = array<i32>} : memref<128xf32, #tpu.memory_space<vmem>>, vector<16xf32>,
    %broadcast_in_dim3A_41 = arith.constant 1.000000e+00 : f32
    %broadcast_in_dim3A_42 = vector.broadcast %broadcast_in_dim3A_41 : f32 to vector<16xf32>
    %swap3A_43 = arith.constant 112 : index
    %swap3A_44 = tpu.vector_load %arg8[%swap3A_43] {strides = array<i32>} : memref<128xf32, #tpu.memory_space<vmem>>, vector<16xf32>,
    %swap3A_45 = vector.shape_cast %swap3A_44 : vector<16xf32> to vector<16xf32>
    %swap3A_46 = vector.shape_cast %broadcast_in_dim3A_42 : vector<16xf32> to vector<16xf32>
    tpu.vector_store %arg8[%swap3A_43], %swap3A_46 {strides = array<i32>} : memref<128xf32, #tpu.memory_space<vmem>>, vector<16xf32>,
    %eq3A = arith.constant 0 : i32
    %eq3A_47 = arith.cmpi eq, %arg1, %eq3A : i32
    %convert_element_type3A = arith.extui %eq3A_47 : i1 to i32
    %cond3A = arith.constant 0 : i32
    %cond3A_48 = arith.cmpi ne, %convert_element_type3A, %cond3A : i32
    scf.if %cond3A_48 {
      "tpu.region"() ({
        %run_scoped3A = tpu.sem_alloc : memref<!tpu.dma_semaphore, #tpu.memory_space<semaphore_mem>>
        tpu.enqueue_dma source(%arg3 : memref<10240xf32, #tpu.memory_space<hbm>>) target(%arg6 : memref<10240xf32, #tpu.memory_space<vmem_shared>>) target_semaphore(%run_scoped3A : memref<!tpu.dma_semaphore, #tpu.memory_space<semaphore_mem>>)
        tpu.wait_dma2 semaphore(%run_scoped3A : memref<!tpu.dma_semaphore, #tpu.memory_space<semaphore_mem>>) src(%arg3 : memref<10240xf32, #tpu.memory_space<hbm>>) dst(%arg6 : memref<10240xf32, #tpu.memory_space<vmem_shared>>)
        tpu.yield
      }) : () -> ()
    } else {
    }
    %barrier3A = arith.constant 0 : index
    tpu.barrier barrier_id(%barrier3A)
    %scan3A = arith.constant 0 : i32
    %scan3A_49 = arith.constant 0 : i32
    %scan3A_50 = arith.constant 80 : i32
    %scan3A_51 = arith.addi %scan3A_49, %scan3A_50 : i32
    %scan3A_52 = arith.constant 1 : i32
    scf.for %scan3A_67 = %scan3A_49 to %scan3A_51 step %scan3A_52  : i32 {
      "tpu.region"() ({
        %run_scoped3A = tpu.sem_alloc : memref<!tpu.dma_semaphore, #tpu.memory_space<semaphore_mem>>
        %dma_start3A = arith.constant 0 : i32
        %dma_start3A_68 = tpu.memref_slice %arg7[%scan3A_67, %dma_start3A] : memref<80x128xi32, #tpu.memory_space<vmem>> -> memref<1x128xi32, #tpu.memory_space<vmem>>
        %dma_start3A_69 = tpu.memref_squeeze %dma_start3A_68 : memref<1x128xi32, #tpu.memory_space<vmem>> -> memref<128xi32, #tpu.memory_space<vmem>>
        %dma_start3A_70 = arith.constant 0 : i32
        %dma_start3A_71 = tpu.memref_slice %arg6[%dma_start3A_70] : memref<10240xf32, #tpu.memory_space<vmem_shared>> -> memref<10240xf32, #tpu.memory_space<vmem_shared>>
        tpu.enqueue_indirect_dma source(%arg8 : memref<128xf32, #tpu.memory_space<vmem>>) target(%dma_start3A_71 : memref<10240xf32, #tpu.memory_space<vmem_shared>>) offsets(%dma_start3A_69 : memref<128xi32, #tpu.memory_space<vmem>>) semaphore(%run_scoped3A : memref<!tpu.dma_semaphore, #tpu.memory_space<semaphore_mem>>) {add = true}
        %dma_wait3A = arith.constant 0 : i32
        %dma_wait3A_72 = tpu.memref_slice %arg7[%scan3A_67, %dma_wait3A] : memref<80x128xi32, #tpu.memory_space<vmem>> -> memref<1x128xi32, #tpu.memory_space<vmem>>
        %dma_wait3A_73 = tpu.memref_squeeze %dma_wait3A_72 : memref<1x128xi32, #tpu.memory_space<vmem>> -> memref<128xi32, #tpu.memory_space<vmem>>
        %dma_wait3A_74 = arith.constant 0 : i32
        %dma_wait3A_75 = tpu.memref_slice %arg6[%dma_wait3A_74] : memref<10240xf32, #tpu.memory_space<vmem_shared>> -> memref<10240xf32, #tpu.memory_space<vmem_shared>>
        tpu.wait_indirect_dma semaphore(%run_scoped3A : memref<!tpu.dma_semaphore, #tpu.memory_space<semaphore_mem>>) src(%arg8 : memref<128xf32, #tpu.memory_space<vmem>>) dst(%dma_wait3A_75 : memref<10240xf32, #tpu.memory_space<vmem_shared>>)
        tpu.yield
      }) : () -> ()
    }
    %scan3A_53 = arith.constant 80 : i32
    %barrier3A_54 = arith.constant 0 : index
    tpu.barrier barrier_id(%barrier3A_54)
    %mul3A_55 = arith.constant 640 : i32
    %mul3A_56 = arith.muli %arg1, %mul3A_55 : i32
    %eq3A_57 = arith.constant 0 : i32
    %eq3A_58 = arith.cmpi eq, %arg0, %eq3A_57 : i32
    %convert_element_type3A_59 = arith.extui %eq3A_58 : i1 to i32
    %cond3A_60 = arith.constant 0 : i32
    %cond3A_61 = arith.cmpi ne, %convert_element_type3A_59, %cond3A_60 : i32
    scf.if %cond3A_61 {
      "tpu.region"() ({
        %run_scoped3A = tpu.sem_alloc : memref<!tpu.dma_semaphore, #tpu.memory_space<semaphore_mem>>
        %dma_start3A = tpu.memref_slice %arg4[%mul3A_56] : memref<10240xf32, #tpu.memory_space<hbm>> -> memref<640xf32, #tpu.memory_space<hbm>>
        %dma_start3A_67 = tpu.memref_slice %arg6[%mul3A_56] : memref<10240xf32, #tpu.memory_space<vmem_shared>> -> memref<640xf32, #tpu.memory_space<vmem_shared>>
        tpu.enqueue_dma source(%dma_start3A_67 : memref<640xf32, #tpu.memory_space<vmem_shared>>) target(%dma_start3A : memref<640xf32, #tpu.memory_space<hbm>>) target_semaphore(%run_scoped3A : memref<!tpu.dma_semaphore, #tpu.memory_space<semaphore_mem>>)
        %dma_wait3A = tpu.memref_slice %arg4[%mul3A_56] : memref<10240xf32, #tpu.memory_space<hbm>> -> memref<640xf32, #tpu.memory_space<hbm>>
        %dma_wait3A_68 = tpu.memref_slice %arg6[%mul3A_56] : memref<10240xf32, #tpu.memory_space<vmem_shared>> -> memref<640xf32, #tpu.memory_space<vmem_shared>>
        tpu.wait_dma2 semaphore(%run_scoped3A : memref<!tpu.dma_semaphore, #tpu.memory_space<semaphore_mem>>) src(%dma_wait3A_68 : memref<640xf32, #tpu.memory_space<vmem_shared>>) dst(%dma_wait3A : memref<640xf32, #tpu.memory_space<hbm>>)
        tpu.yield
      }) : () -> ()
    } else {
    }
    %eq3A_62 = arith.constant 1 : i32
    %eq3A_63 = arith.cmpi eq, %arg0, %eq3A_62 : i32
    %convert_element_type3A_64 = arith.extui %eq3A_63 : i1 to i32
    %cond3A_65 = arith.constant 0 : i32
    %cond3A_66 = arith.cmpi ne, %convert_element_type3A_64, %cond3A_65 : i32
    scf.if %cond3A_66 {
      "tpu.region"() ({
        %run_scoped3A = tpu.sem_alloc : memref<!tpu.dma_semaphore, #tpu.memory_space<semaphore_mem>>
        %dma_start3A = tpu.memref_slice %arg5[%mul3A_56] : memref<10240xf32, #tpu.memory_space<hbm>> -> memref<640xf32, #tpu.memory_space<hbm>>
        %dma_start3A_67 = tpu.memref_slice %arg6[%mul3A_56] : memref<10240xf32, #tpu.memory_space<vmem_shared>> -> memref<640xf32, #tpu.memory_space<vmem_shared>>
        tpu.enqueue_dma source(%dma_start3A_67 : memref<640xf32, #tpu.memory_space<vmem_shared>>) target(%dma_start3A : memref<640xf32, #tpu.memory_space<hbm>>) target_semaphore(%run_scoped3A : memref<!tpu.dma_semaphore, #tpu.memory_space<semaphore_mem>>)
        %dma_wait3A = tpu.memref_slice %arg5[%mul3A_56] : memref<10240xf32, #tpu.memory_space<hbm>> -> memref<640xf32, #tpu.memory_space<hbm>>
        %dma_wait3A_68 = tpu.memref_slice %arg6[%mul3A_56] : memref<10240xf32, #tpu.memory_space<vmem_shared>> -> memref<640xf32, #tpu.memory_space<vmem_shared>>
        tpu.wait_dma2 semaphore(%run_scoped3A : memref<!tpu.dma_semaphore, #tpu.memory_space<semaphore_mem>>) src(%dma_wait3A_68 : memref<640xf32, #tpu.memory_space<vmem_shared>>) dst(%dma_wait3A : memref<640xf32, #tpu.memory_space<hbm>>)
        tpu.yield
      }) : () -> ()
    } else {
    }
    return
  }
}

module attributes {stable_mosaic.version = 14 : i64} {
  func.func @_h_body(%arg0: i32, %arg1: memref<400x1xf32, #tpu.memory_space<vmem>>, %arg2: memref<400x1xf32, #tpu.memory_space<vmem>>, %arg3: memref<400x128xf32, #tpu.memory_space<vmem>>, %arg4: memref<128x128xf32, #tpu.memory_space<vmem>>, %arg5: memref<1x128xf32, #tpu.memory_space<vmem>>, %arg6: memref<400x128xf32, #tpu.memory_space<vmem>>) attributes {dimension_semantics = [#tpu.dimension_semantics<arbitrary>], iteration_bounds = array<i64: 25>, scalar_prefetch = 0 : i64, scratch_operands = 0 : i64, tpu.core_type = #tpu.core_type<tc>, window_params = [{transform_indices = @transform_0, window_bounds = array<i64: 400, 1>}, {transform_indices = @transform_1, window_bounds = array<i64: 400, 1>}, {transform_indices = @transform_2, window_bounds = array<i64: 400, 128>}, {pipeline_mode = #tpu.pipeline_mode<synchronous>, transform_indices = @transform_3, window_bounds = array<i64: 128, 128>}, {pipeline_mode = #tpu.pipeline_mode<synchronous>, transform_indices = @transform_4, window_bounds = array<i64: 1, 128>}, {transform_indices = @transform_5, window_bounds = array<i64: 400, 128>}]} {
    %get3A = arith.constant 0 : index
    %get3A_0 = arith.constant 0 : index
    %get3A_1 = vector.load %arg1[%get3A, %get3A_0] : memref<400x1xf32, #tpu.memory_space<vmem>>, vector<400x1xf32>
    %get3A_2 = arith.constant 0 : index
    %get3A_3 = arith.constant 0 : index
    %get3A_4 = vector.load %arg2[%get3A_2, %get3A_3] : memref<400x1xf32, #tpu.memory_space<vmem>>, vector<400x1xf32>
    %add3A = arith.addf %get3A_1, %get3A_4 : vector<400x1xf32>
    %add3A_5 = arith.constant 1.000000e+00 : f32
    %add3A_6 = vector.broadcast %add3A_5 : f32 to vector<400x1xf32>
    %add3A_7 = arith.addf %add3A, %add3A_6 : vector<400x1xf32>
    %rsqrt3A = math.rsqrt %add3A_7 : vector<400x1xf32>
    %get3A_8 = arith.constant 0 : index
    %get3A_9 = arith.constant 0 : index
    %get3A_10 = vector.load %arg3[%get3A_8, %get3A_9] : memref<400x128xf32, #tpu.memory_space<vmem>>, vector<400x128xf32>
    %get3A_11 = arith.constant 0 : index
    %get3A_12 = arith.constant 0 : index
    %get3A_13 = vector.load %arg4[%get3A_11, %get3A_12] : memref<128x128xf32, #tpu.memory_space<vmem>>, vector<128x128xf32>
    %dot_general3A = arith.constant dense<0.000000e+00> : vector<400x128xf32>
    %dot_general3A_14 = tpu.matmul %get3A_10, %get3A_13, %dot_general3A {dimension_numbers = #tpu.dot_dimension_numbers<[1], [0], [0], [1], [0, 0, 1, 1], [], []>, transpose_lhs_hint = false} : vector<400x128xf32>, vector<128x128xf32>, vector<400x128xf32> -> vector<400x128xf32>
    %get3A_15 = arith.constant 0 : index
    %get3A_16 = arith.constant 0 : index
    %get3A_17 = vector.load %arg5[%get3A_15, %get3A_16] : memref<1x128xf32, #tpu.memory_space<vmem>>, vector<1x128xf32>
    %get3A_18 = vector.shape_cast %get3A_17 : vector<1x128xf32> to vector<128xf32>
    %broadcast_in_dim3A = vector.shape_cast %get3A_18 : vector<128xf32> to vector<1x128xf32>
    %add3A_19 = vector.broadcast %broadcast_in_dim3A : vector<1x128xf32> to vector<400x128xf32>
    %add3A_20 = arith.addf %dot_general3A_14, %add3A_19 : vector<400x128xf32>
    %mul3A = vector.broadcast %rsqrt3A : vector<400x1xf32> to vector<400x128xf32>
    %mul3A_21 = arith.mulf %add3A_20, %mul3A : vector<400x128xf32>
    %swap3A = arith.constant 0 : index
    %swap3A_22 = arith.constant 0 : index
    %swap3A_23 = vector.load %arg6[%swap3A, %swap3A_22] : memref<400x128xf32, #tpu.memory_space<vmem>>, vector<400x128xf32>
    tpu.vector_store %arg6[%swap3A, %swap3A_22], %mul3A_21 {strides = array<i32>} : memref<400x128xf32, #tpu.memory_space<vmem>>, vector<400x128xf32>,
    return
  }
  func.func @transform_0(%arg0: i32) -> (i32, i32) {
    %c0_i32 = arith.constant 0 : i32
    %c0_i32_0 = arith.constant 0 : i32
    return %arg0, %c0_i32 : i32, i32
  }
  func.func @transform_1(%arg0: i32) -> (i32, i32) {
    %c0_i32 = arith.constant 0 : i32
    %c0_i32_0 = arith.constant 0 : i32
    return %arg0, %c0_i32 : i32, i32
  }
  func.func @transform_2(%arg0: i32) -> (i32, i32) {
    %c0_i32 = arith.constant 0 : i32
    %c0_i32_0 = arith.constant 0 : i32
    return %arg0, %c0_i32 : i32, i32
  }
  func.func @transform_3(%arg0: i32) -> (i32, i32) {
    %c0_i32 = arith.constant 0 : i32
    %c0_i32_0 = arith.constant 0 : i32
    %c0_i32_1 = arith.constant 0 : i32
    return %c0_i32, %c0_i32_0 : i32, i32
  }
  func.func @transform_4(%arg0: i32) -> (i32, i32) {
    %c0_i32 = arith.constant 0 : i32
    %c0_i32_0 = arith.constant 0 : i32
    %c0_i32_1 = arith.constant 0 : i32
    return %c0_i32, %c0_i32_0 : i32, i32
  }
  func.func @transform_5(%arg0: i32) -> (i32, i32) {
    %c0_i32 = arith.constant 0 : i32
    %c0_i32_0 = arith.constant 0 : i32
    return %arg0, %c0_i32 : i32, i32
  }
}

module attributes {stable_mosaic.version = 14 : i64} {
  func.func @_out_body(%arg0: i32, %arg1: memref<200x1xf32, #tpu.memory_space<vmem>>, %arg2: memref<200x1xf32, #tpu.memory_space<vmem>>, %arg3: memref<2x200x128xf32, #tpu.memory_space<vmem>>, %arg4: memref<200x128xf32, #tpu.memory_space<vmem>>) attributes {dimension_semantics = [#tpu.dimension_semantics<arbitrary>], iteration_bounds = array<i64: 50>, scalar_prefetch = 0 : i64, scratch_operands = 0 : i64, tpu.core_type = #tpu.core_type<tc>, window_params = [{transform_indices = @transform_0, window_bounds = array<i64: 200, 1>}, {transform_indices = @transform_1, window_bounds = array<i64: 200, 1>}, {transform_indices = @transform_2, window_bounds = array<i64: 2, 200, 128>}, {transform_indices = @transform_3, window_bounds = array<i64: 200, 128>}]} {
    %get3A = arith.constant 0 : index
    %get3A_0 = arith.constant 0 : index
    %get3A_1 = vector.load %arg1[%get3A, %get3A_0] : memref<200x1xf32, #tpu.memory_space<vmem>>, vector<200x1xf32>
    %get3A_2 = arith.constant 0 : index
    %get3A_3 = arith.constant 0 : index
    %get3A_4 = vector.load %arg2[%get3A_2, %get3A_3] : memref<200x1xf32, #tpu.memory_space<vmem>>, vector<200x1xf32>
    %add3A = arith.addf %get3A_1, %get3A_4 : vector<200x1xf32>
    %add3A_5 = arith.constant 1.000000e+00 : f32
    %add3A_6 = vector.broadcast %add3A_5 : f32 to vector<200x1xf32>
    %add3A_7 = arith.addf %add3A, %add3A_6 : vector<200x1xf32>
    %rsqrt3A = math.rsqrt %add3A_7 : vector<200x1xf32>
    %ge3A = arith.constant 25 : i32
    %ge3A_8 = arith.cmpi sge, %arg0, %ge3A : i32
    %get3A_9 = arith.constant 1 : index
    %get3A_10 = arith.constant 0 : index
    %get3A_11 = arith.constant 0 : index
    %get3A_12 = vector.load %arg3[%get3A_9, %get3A_10, %get3A_11] : memref<2x200x128xf32, #tpu.memory_space<vmem>>, vector<1x200x128xf32>
    %get3A_13 = vector.shape_cast %get3A_12 : vector<1x200x128xf32> to vector<200x128xf32>
    %get3A_14 = arith.constant 0 : index
    %get3A_15 = arith.constant 0 : index
    %get3A_16 = arith.constant 0 : index
    %get3A_17 = vector.load %arg3[%get3A_14, %get3A_15, %get3A_16] : memref<2x200x128xf32, #tpu.memory_space<vmem>>, vector<1x200x128xf32>
    %get3A_18 = vector.shape_cast %get3A_17 : vector<1x200x128xf32> to vector<200x128xf32>
    %select_n3A = arith.select %ge3A_8, %get3A_13, %get3A_18 : vector<200x128xf32>
    %mul3A = vector.broadcast %rsqrt3A : vector<200x1xf32> to vector<200x128xf32>
    %mul3A_19 = arith.mulf %select_n3A, %mul3A : vector<200x128xf32>
    %swap3A = arith.constant 0 : index
    %swap3A_20 = arith.constant 0 : index
    %swap3A_21 = vector.load %arg4[%swap3A, %swap3A_20] : memref<200x128xf32, #tpu.memory_space<vmem>>, vector<200x128xf32>
    tpu.vector_store %arg4[%swap3A, %swap3A_20], %mul3A_19 {strides = array<i32>} : memref<200x128xf32, #tpu.memory_space<vmem>>, vector<200x128xf32>,
    return
  }
  func.func @transform_0(%arg0: i32) -> (i32, i32) {
    %c0_i32 = arith.constant 0 : i32
    %c0_i32_0 = arith.constant 0 : i32
    return %arg0, %c0_i32 : i32, i32
  }
  func.func @transform_1(%arg0: i32) -> (i32, i32) {
    %c0_i32 = arith.constant 0 : i32
    %c0_i32_0 = arith.constant 0 : i32
    return %arg0, %c0_i32 : i32, i32
  }
  func.func @transform_2(%arg0: i32) -> (i32, i32, i32) {
    %lt3A = arith.constant 25 : i32
    %lt3A_0 = arith.cmpi slt, %arg0, %lt3A : i32
    %sub3A = arith.constant 25 : i32
    %sub3A_1 = arith.subi %arg0, %sub3A : i32
    %select_n3A = arith.select %lt3A_0, %arg0, %sub3A_1 : i32
    %c0_i32 = arith.constant 0 : i32
    %c0_i32_2 = arith.constant 0 : i32
    %c0_i32_3 = arith.constant 0 : i32
    return %c0_i32, %select_n3A, %c0_i32_2 : i32, i32, i32
  }
  func.func @transform_3(%arg0: i32) -> (i32, i32) {
    %c0_i32 = arith.constant 0 : i32
    %c0_i32_0 = arith.constant 0 : i32
    return %arg0, %c0_i32 : i32, i32
  }
}

</mosaic_0001>

<sc_bundles>
// kernel: kernel.6.cloned.1.call-start
scs
__scs_entry_jumppad:
0x0: {  	(pc) =	sbr.rel $0x88, $3  }
0x1: {  	(tag) =	ssettag $0x0;
	lr =	simm.s32 $0x1  }
0x2: {  	[smem:$0x3F9D] =	sst lr;
	_ =	strace $0xD0000000  }
0x3: {  	_ = 	snop  }
0x4: {  	_ = 	snop  }
0x5: {  	_ = 	snop  }
0x6: {  	_ = 	snop  }
0x7: {  	_ = 	snop  }
__scs_overlays_trampoline_lowered:
0x8: {  	[smem:$0x3FAC] =	sst s0  }
0x9: {  	[smem:$0x3FAD] =	sst s1  }
0xa: {  	[smem:$0x3FAE] =	sst s2  }
0xb: {  	[smem:$0x3FAF] =	sst s3  }
0xc: {  	[smem:$0x3FB0] =	sst s4  }
0xd: {  	[smem:$0x3FB1] =	sst s5  }
0xe: {  	[smem:$0x3FB2] =	sst s6  }
0xf: {  	[smem:$0x3FB3] =	sst s7  }
0x10: {  	[smem:$0x3FB4] =	sst s8  }
0x11: {  	[smem:$0x3FB5] =	sst s9;
	s0 =	simm.s32 @!p0 $0x0  }
0x12: {  	s1 =	sld [smem:$0x3F9B];
	s0 =	simm.s32 @p0 $0x1  }
0x13: {  	[smem:$0x3FB6] =	sst s0;
	s0 =	simm.s32 @!p1 $0x0  }
0x14: {  	s2 =	sld [smem:$0x3F9A];
	s0 =	simm.s32 @p1 $0x1  }
0x15: {  	[smem:$0x3FB7] =	sst s0;
	s0 =	simm.s32 @!p2 $0x0  }
0x16: {  	s3 =	sld [smem:$0x3FDB];
	s0 =	simm.s32 @p2 $0x1  }
0x17: {  	s4 =	simm.s32 $0x1BF5;
	[smem:$0x3FB9] =	sst s0  }
0x18: {  	s0 =	sld [smem:$0x3F9C];
	_ =	swait.ge [sflag:s4], $0x0  }
0x19: {  	s7 =	sld [smem:$0x3F9D]  }
0x1a: {  	s8 =	sadd.s32 $0xFFFFE003, lr  }
0x1b: {  	s9 =	sadd.s32 $0xFFFFFEF7, lr;
	s5 =	simm.s32 $0xFFFFFFFF;
	p2 =	slt.u32 s8, $0xFFFFF086  }
0x1c: {  	p1 =	slt.u32 s9, $0xF7A;
	s5 =	simm.s32 @!p2 $0x0  }
0x1d: {  	s5 =	simm.s32 @p1 $0x1;
	p0 =	seq.s32 s7, s2  }
0x1e: {  	s7 =	smul.u32 @!p0 $0xF7A, s2;
	p2 =	seq.s32 @!p0 s5, $0x0  }
0x1f: {  	s9 =	smul.u32 $0xF7A, s1;
	s8 =	simm.s32 @!p0 $0x1BF5;
	p2 =	por !p2, p0  }
0x20: {  	[sflag:s8] =	ssyncset.s32 @!p0 $0xFFFFF086;
	s6 =	sadd.s32 @!p0 s3, s7;
	s7 =	simm.s32 @!p0 $0x108  }
0x21: {  	s3 =	sadd.s32 s3, s9;
	s6 =	sadd.s32 @!p0 $0x88, s6;
	s7 =	simm.s32 @p2 $0x1082  }
0x22: {  	[simem:s7], [sflag:s8] =	dma.local @!p0 [hbm:s6], $0xF7A  }
0x23: {  	s9 =	sor.u32 $0xD0000000, s2;
	s6 =	simm.s32 $0x108;
	_ =	swait.ge @!p0 [sflag:s8], $0x0  }
0x24: {  	s3 =	sadd.s32 $0x88, s3;
	s6 =	simm.s32 @!p1 $0x1082;
	[sflag:s4] =	ssyncset.s32 $0xFFFFF086  }
0x25: {  	[simem:s6], [sflag:s4] =	dma.local [hbm:s3], $0xF7A  }
0x26: {  	[smem:$0x3F9D] =	sst s1;
	(tag) =	ssettag s2;
	_ =	strace s9  }
0x27: {  	s1 =	sld [smem:$0x3FAD]  }
0x28: {  	s2 =	sld [smem:$0x3FAE]  }
0x29: {  	s4 =	sld [smem:$0x3FB0]  }
0x2a: {  	p0 =	seq.s32 s5, $0x0;
	s5 =	sld [smem:$0x3FB1]  }
0x2b: {  	s6 =	sld [smem:$0x3FB2]  }
0x2c: {  	s7 =	sld [smem:$0x3FB3]  }
0x2d: {  	s3 =	simm.s32 $0x108;
	s8 =	sld [smem:$0x3FB4]  }
0x2e: {  	s3 =	simm.s32 @!p0 $0x1082;
	s9 =	sld [smem:$0x3FB5]  }
0x2f: {  	lr =	sadd.s32 s0, s3;
	s0 =	sld [smem:$0x3FAC]  }
0x30: {  	s3 =	sld [smem:$0x3FAF]  }
0x31: {  	[smem:$0x3FB8] =	sst s10  }
0x32: {  	s10 =	sld [smem:$0x3FB6];
	_ =	sdelay $0x3  }
0x33: {  	p0 =	seq.s32 s10, $0x1;
	s10 =	sld [smem:$0x3FB8];
	_ =	sdelay $0x3  }
0x34: {  	[smem:$0x3FB8] =	sst s10  }
0x35: {  	s10 =	sld [smem:$0x3FB7];
	_ =	sdelay $0x3  }
0x36: {  	p1 =	seq.s32 s10, $0x1;
	s10 =	sld [smem:$0x3FB8];
	_ =	sdelay $0x3  }
0x37: {  	[smem:$0x3FB8] =	sst s10  }
0x38: {  	s10 =	sld [smem:$0x3FB9]  }
0x39: {  	_ = 	snop;
	(pc) =	sbr.ind lr, $3  }
0x3a: {  	_ = 	snop  }
0x3b: {  	_ = 	snop  }
0x3c: {  	p2 =	seq.s32 s10, $0x1;
	s10 =	sld [smem:$0x3FB8]  }
0x3d: {  	_ =	shalt  }
0x3e: {  	_ =	shalt  }
0x3f: {  	_ =	shalt  }
0x40: {  	_ =	shalt  }
0x41: {  	_ =	shalt  }
0x42: {  	_ =	shalt  }
0x43: {  	_ =	shalt  }
0x44: {  	_ =	shalt  }
0x45: {  	_ =	shalt  }
0x46: {  	_ =	shalt  }
0x47: {  	_ =	shalt  }
0x48: {  	_ =	shalt  }
0x49: {  	_ =	shalt  }
0x4a: {  	_ =	shalt  }
0x4b: {  	_ =	shalt  }
0x4c: {  	_ =	shalt  }
0x4d: {  	_ =	shalt  }
0x4e: {  	_ =	shalt  }
0x4f: {  	_ =	shalt  }
0x50: {  	_ =	shalt  }
0x51: {  	_ =	shalt  }
0x52: {  	_ =	shalt  }
0x53: {  	_ =	shalt  }
0x54: {  	_ =	shalt  }
0x55: {  	_ =	shalt  }
0x56: {  	_ =	shalt  }
0x57: {  	_ =	shalt  }
0x58: {  	_ =	shalt  }
0x59: {  	_ =	shalt  }
0x5a: {  	_ =	shalt  }
0x5b: {  	_ =	shalt  }
0x5c: {  	_ =	shalt  }
0x5d: {  	_ =	shalt  }
0x5e: {  	_ =	shalt  }
0x5f: {  	_ =	shalt  }
0x60: {  	_ =	shalt  }
0x61: {  	_ =	shalt  }
0x62: {  	_ =	shalt  }
0x63: {  	_ =	shalt  }
0x64: {  	_ =	shalt  }
0x65: {  	_ =	shalt  }
0x66: {  	_ =	shalt  }
0x67: {  	_ =	shalt  }
0x68: {  	_ =	shalt  }
0x69: {  	_ =	shalt  }
0x6a: {  	_ =	shalt  }
0x6b: {  	_ =	shalt  }
0x6c: {  	_ =	shalt  }
0x6d: {  	_ =	shalt  }
0x6e: {  	_ =	shalt  }
0x6f: {  	_ =	shalt  }
0x70: {  	_ =	shalt  }
0x71: {  	_ =	shalt  }
0x72: {  	_ =	shalt  }
0x73: {  	_ =	shalt  }
0x74: {  	_ =	shalt  }
0x75: {  	_ =	shalt  }
0x76: {  	_ =	shalt  }
0x77: {  	_ =	shalt  }
0x78: {  	_ =	shalt  }
0x79: {  	_ =	shalt  }
0x7a: {  	_ =	shalt  }
0x7b: {  	_ =	shalt  }
0x7c: {  	_ =	shalt  }
0x7d: {  	_ =	shalt  }
0x7e: {  	_ =	shalt  }
0x7f: {  	_ =	shalt  }
0x80: {  	_ =	shalt  }
0x81: {  	_ =	shalt  }
0x82: {  	_ =	shalt  }
0x83: {  	_ =	shalt  }
0x84: {  	_ =	shalt  }
0x85: {  	_ =	shalt  }
0x86: {  	_ =	shalt  }
0x87: {  	_ =	shalt  }
.Lfunc_end0:
.L_simem_size_0:
called_computation_lowered:
.L_overlay_start_0:
0x88: {  	s2 =	sld [smem:$0x3FD9]  }
0x89: {  	s3 =	sld [smem:$0x3FFE];
	_ =	sdelay $0x1  }
0x8a: {  	s1 =	srdreg.scid  }
0x8b: {  	s0 =	sand.u32 $0x1, s1  }
0x8c: {  	s17 =	sshll.u32 s0, $0xA;
	s2 =	sadd.s32 s3, s2  }
0x8d: {  	s2 =	sadd.s32 s2, s17  }
0x8e: {  	[smem:$0x3FC4] =	sst s2  }
0x8f: {  	_ = 	snop  }
0x90: {  	s2 =	sld [smem:$0x3FD0];
	(tm) =	ssettm $0x1  }
0x91: {  	s18 =	sld [smem:$0x3FFB];
	_ =	sdelay $0x3  }
0x92: {  	_ =	strace s18  }
0x93: {  	s3 =	sld [smem:$0x3FFC];
	_ =	sdelay $0x3  }
0x94: {  	_ =	strace s3  }
0x95: {  	s3 =	sld [smem:$0x3FFD];
	_ =	sdelay $0x3  }
0x96: {  	_ =	strace s3  }
0x97: {  	_ =	strace $0x8FFFFFFF  }
0x98: {  	s19 =	sld [smem:$0x3FDB];
	_ =	sdelay $0x1  }
0x99: {  	s4 =	simm.s32 $_scs_section_size  }
0x9a: {  	s5 =	simm.s32 $_size__tile_overlayer_lowered;
	s6 =	simm.s32 $_tile_overlayer_lowered  }
0x9b: {  	s22 =	simm.s32 $0x1BFF;
	s21 =	sshll.u32 s6, $0x1;
	s3 =	sadd.s32 s4, s19  }
0x9c: {  	s7 =	simm.s32 $0x0;
	s20 =	sshll.u32 s5, $0x1;
	s5 =	sadd.s32 s21, s3  }
0x9d: {  	[timem:s7], [sflag:s22] =	dma.local [hbm:s5], s20  }
0x9e: {  	_ =	swait.ge [sflag:s22], s20  }
0x9f: {  	s4 =	ssub.s32 $0x0, s20;
	[sflag:s22] =	ssyncset.done $0x0  }
0xa0: {  	[sflag:s22] =	ssyncadd.s32 s4;
	_ =	sdelay $0x1  }
0xa1: {  	s23 =	simm.s32 $0x1B8B  }
0xa2: {  	_ =	swait.ge [sflag:s23], $0x1  }
0xa3: {  	[sflag:s23] =	ssyncset.done $0x0  }
0xa4: {  	s25 =	simm.s32 $0x1B8E;
	s24 =	sld [smem:$0x3FFE];
	[sflag:s23] =	ssyncadd.s32 $0xFFFFFFFF  }
0xa5: {  	s26 =	simm.s32 $execute0_lowered;
	[smem:$0x3FD2] =	sst s25  }
0xa6: {  	s5 =	sshll.u32 s26, $0x1;
	_ =	strace $0x80000046;
	[dreg:$0x1] =	wrdreg $0xFFFFFFFF  }
0xa7: {  	s28 =	simm.s32 $_size_execute0_lowered;
	s3 =	sadd.s32 s3, s5;
	[dreg:$0x0] =	wrdreg $0x0  }
0xa8: {  	s5 =	sshll.u32 s28, $0x1;
	[dreg:$0x2] =	wrdreg s3  }
0xa9: {  	[dreg:$0x3] =	wrdreg s5  }
0xaa: {  	[dreg:$0x4] =	wrdreg $0xC0  }
0xab: {  	_ =	task [dreg:s7], $0x5FFFF  }
0xac: {  	[dreg:$0x1] =	wrdreg $0xFFFFFFFF  }
0xad: {  	[dreg:$0x0] =	wrdreg $0x60  }
0xae: {  	[dreg:$0x2] =	wrdreg s2  }
0xaf: {  	[dreg:$0x3] =	wrdreg s24  }
0xb0: {  	[dreg:$0x4] =	wrdreg $0x0  }
0xb1: {  	[dreg:$0x5] =	wrdreg $0x9  }
0xb2: {  	_ =	task.clear_ibuf [dreg:s7], $0x6FFFF;
	_ =	strace $0x90000046  }
0xb3: {  	s29 =	simm.s32 $0x9;
	_ =	strace $0x80000048  }
0xb4: {  	_ =	swait.ge [sflag:s29], $0x1  }
0xb5: {  	[sflag:s29] =	ssyncadd.s32 $0xFFFFFFFF  }
0xb6: {  	_ =	strace $0x90000048  }
0xb7: {  	_ =	sfence  }
0xb8: {  	s30 =	sld [smem:$0x0];
	_ =	sdelay $0x2  }
0xb9: {  	s31 =	sshll.u32 s1, $0xD;
	s1 =	sshrl.u32 s1, $0x2  }
0xba: {  	s3 =	sand.u32 $0x4000, s31;
	s1 =	sadd.s32 s1, s30  }
0xbb: {  	s0 =	sor.u32 s3, s0;
	s1 =	sshll.u32 s1, $0x11  }
0xbc: {  	s0 =	sor.u32 s1, s0  }
0xbd: {  	s0 =	sadd.s32 $0x8F2B, s0  }
0xbe: {  	[sflag:s0] =	ssyncadd.remote.s32 $0x1  }
0xbf: {  	_ =	sfence.sel $0xFFFF  }
0xc0: {  	[dreg:$0x0] =	wrdreg $0xFFFFFFFF;
	(pc) =	sbr.abs _section_cstart, $3  }
0xc1: {  	[dreg:$0x1] =	wrdreg $0xFFFFFFFF  }
0xc2: {  	_ =	task.clear_ibuf [dreg:s7], $0x2FFFF;
	_ =	strace $0x9FFFFFFF  }
0xc3: {  	(tm) =	ssettm $0x7FFFFFFF  }
tec
execute0_lowered:
.L_overlay_start_1:
0x0: {  	(tag) =	ssettag $0x1  }
0x1: {  	s4 =	rddreg [dreg:$0x0]  }
0x2: {  	s5 =	rddreg [dreg:$0x1]  }
0x3: {  	s1 =	rddreg [dreg:$0x2];
	s3 =	srdreg.scid  }
0x4: {  	s0 =	rddreg [dreg:$0x3];
	s2 =	simm.s32 $0x0;
	s12 =	stileid.u32  }
0x5: {  	s11 =	simm.s32 $0x2A80;
	s14 =	simm.s32 $0x0;
	s6 =	sand.u32 $0x1, s3  }
0x6: {  	[smem:$0x7FF] =	sst s2;
	s10 =	smul.u32 $0x280, s12;
	s3 =	sshll.u32 s6, $0x4  }
0x7: {  	_ =	strace $0x80000047;
	s7 =	ssub.s32 $0x2, s6;
	p0 =	seq.s32 s6, $0x1  }
0x8: {  	s6 =	simm.s32 $0x1E00;
	s8 =	sor.u32 s12, s3;
	s3 =	sadd.s32 $0x1800, s5  }
0x9: {  	s9 =	sshrl.u32 s7, $0x1;
	s6 =	simm.s32 @!p0 $0x2400;
	s31 =	sshrl.u32 s10, $0x3  }
0xa: {  	s13 =	sadd.s32 s10, s1;
	p0 =	sne.s32 s12, $0x0;
	s10 =	simm.s32 $0x80  }
0xb: {  	s12 =	sshll.u32 s12, $0x6;
	s8 =	smul.u32 $0x500, s8;
	s7 =	ssub.s32 s7, s9  }
0xc: {  	s6 =	sadd.s32 s6, s5;
	s9 =	sshrl.u32 @!p0 s1, $0x3;
	s12 =	sor.u32 $0x1C01, s12  }
0xd: {  	s13 =	sshrl.u32 s13, $0x3;
	s5 =	smax.u32 s7, $0x1;
	s6 =	sadd.s32 s6, s31  }
0xe: {  	v0 =	vimm.f32 $1.000000000e+00;
	s7 =	simm.s32 $0x280;
	s4 =	sadd.s32 s4, s8;
	s8 =	simm.s32 $0x1  }
.LBB2_1:
0xf: {  	[tilespmem:s7], [sflag:$0x1] =	stream.linear.gather [hbm4b:s4+s2], $0x2800, $0x38;
	[tilespmem:$0x2B00] =	vst v63  }
0x10: {  	_ =	swait.ge [sflag:s8], $0x2800  }
0x11: {  	[sflag:s8] =	ssyncset.done $0x0  }
0x12: {  	[sflag:s8] =	ssyncadd.s32 $0xFFFFD800  }
0x13: {  	[tilespmem:$0x2A80] =	vst v0  }
0x14: {  	[tilespmem:$0x2A90] =	vst v0  }
0x15: {  	[tilespmem:$0x2AA0] =	vst v0  }
0x16: {  	[tilespmem:$0x2AB0] =	vst v0  }
0x17: {  	[tilespmem:$0x2AC0] =	vst v0  }
0x18: {  	[tilespmem:$0x2AD0] =	vst v0  }
0x19: {  	[tilespmem:$0x2AE0] =	vst v0  }
0x1a: {  	s15 =	simm.s32 @!p0 $0x1C01;
	[tilespmem:$0x2AF0] =	vst v0  }
0x1b: {  	[spmem:s9], [sflag:s15] =	dma.local @!p0 [hbm:s3], $0x500  }
0x1c: {  	s15 =	simm.s32 @!p0 $0x1  }
0x1d: {  	_ =	swait.ge @!p0 [sflag:s15], $0x500  }
0x1e: {  	[sflag:s15] =	ssyncset.done @!p0 $0x0  }
0x1f: {  	[sflag:s15] =	ssyncadd.s32 @!p0 $0xFFFFFB00  }
0x20: {  	s31 =	simm.s32 $0x280;
	[bflag:$0x0] =	sbarrier.arrive $0xFFFF  }
0x21: {  	[spmem:s1] =	stream.indirect.scatter.add.f32 [tilespmem:s11], [sflag:$0x1], $0x1, s31, s10, $0xb8;
	[tilespmem:$0x2B00] =	vst v63  }
0x22: {  	s15 =	simm.s32 $0x200;
	_ =	swait.ge [sflag:s8], $0x80  }
.LBB2_2:
0x23: {  	s16 =	sshra.s32 s15, $0x2;
	[sflag:s8] =	ssyncset.done $0x0;
	p1 =	sne.s32 s15, $0x9E00  }
.Ltmp0:
0x24: {  	s16 =	sadd.s32 $0x280, s16;
	[sflag:s8] =	ssyncadd.s32 $0xFFFFFF80;
	(pc) =	sbr.rel @p1 .LBB2_2-.Ltmp0, $3  }
0x25: {  	[spmem:s1] =	stream.indirect.scatter.add.f32 [tilespmem:s11], [sflag:$0x1], $0x1, s16, s10, $0xb8;
	[tilespmem:$0x2B00] =	vst v63  }
0x26: {  	s15 =	sadd.s32 $0x200, s15;
	_ =	sdelay $0x1  }
0x27: {  	_ =	swait.ge [sflag:s8], $0x80  }
0x28: {  	[sflag:s8] =	ssyncset.done $0x0;
	s14 =	sadd.s32 $0x1, s14  }
0x29: {  	[sflag:s8] =	ssyncadd.s32 $0xFFFFFF80;
	p1 =	sne.s32 s14, s5  }
.Ltmp1:
0x2a: {  	[bflag:$0x0] =	sbarrier.arrive $0xFFFF;
	(pc) =	sbr.rel @p1 .LBB2_1-.Ltmp1, $4  }
0x2b: {  	[hbm:s6], [sflag:s12] =	dma.local [spmem:s13], $0x50  }
0x2c: {  	_ =	swait.ge [sflag:s8], $0x50  }
0x2d: {  	[sflag:s8] =	ssyncset.done $0x0  }
0x2e: {  	[sflag:s8] =	ssyncadd.s32 $0xFFFFFFB0  }
0x2f: {  	_ =	sfence.sel $0x180000  }
0x30: {  	[bflag:$0x0] =	sbarrier.arrive $0xFFFF  }
0x31: {  	_ =	strace $0x90000047  }
0x32: {  	s0 =	sadd.s32 @!p0 $0x100000, s0;
	[bflag:$0x2] =	sbarrier.arrive $0xFFFF  }
0x33: {  	[sflag:s0] =	ssyncadd.tile.s32 @!p0 $0x1;
	_ =	shalt  }
.Lfunc_end2:
_tile_overlayer_lowered:
.L_overlay_start_2:
0x34: {  	(tag) =	ssettag $0x2  }
0x35: {  	s0 =	rddreg [dreg:$0x0];
	s2 =	stileid.u32  }
0x36: {  	s1 =	rddreg [dreg:$0x1];
	p0 =	sne.s32 s2, $0x0  }
0x37: {  	s3 =	rddreg [dreg:$0x2];
	[bflag:$0x3] =	sbarrier.arrive $0xFFFF;
	s2 =	simm.s32 @!p0 $0x1C01  }
0x38: {  	[timem:s3], [sflag:s2] =	dma.local @!p0 [hbm:s0], s1  }
0x39: {  	s0 =	simm.s32 @!p0 $0x1  }
0x3a: {  	_ =	swait.ge @!p0 [sflag:s0], s1  }
0x3b: {  	s1 =	ssub.s32 @!p0 $0x0, s1;
	[sflag:s0] =	ssyncset.done @!p0 $0x0  }
0x3c: {  	[sflag:s0] =	ssyncadd.s32 @!p0 s1  }
0x3d: {  	[bflag:$0x3] =	sbarrier.arrive $0xFFFF  }
0x3e: {  	_ =	shalt  }

// kernel: kernel.9.cloned.1.call-start
scs
__scs_entry_jumppad:
0x0: {  	(pc) =	sbr.rel $0x88, $3  }
0x1: {  	(tag) =	ssettag $0x0;
	lr =	simm.s32 $0x1  }
0x2: {  	[smem:$0x3F9D] =	sst lr;
	_ =	strace $0xD0000000  }
0x3: {  	_ = 	snop  }
0x4: {  	_ = 	snop  }
0x5: {  	_ = 	snop  }
0x6: {  	_ = 	snop  }
0x7: {  	_ = 	snop  }
__scs_overlays_trampoline_lowered:
0x8: {  	[smem:$0x3FAC] =	sst s0  }
0x9: {  	[smem:$0x3FAD] =	sst s1  }
0xa: {  	[smem:$0x3FAE] =	sst s2  }
0xb: {  	[smem:$0x3FAF] =	sst s3  }
0xc: {  	[smem:$0x3FB0] =	sst s4  }
0xd: {  	[smem:$0x3FB1] =	sst s5  }
0xe: {  	[smem:$0x3FB2] =	sst s6  }
0xf: {  	[smem:$0x3FB3] =	sst s7  }
0x10: {  	[smem:$0x3FB4] =	sst s8  }
0x11: {  	[smem:$0x3FB5] =	sst s9;
	s0 =	simm.s32 @!p0 $0x0  }
0x12: {  	s1 =	sld [smem:$0x3F9B];
	s0 =	simm.s32 @p0 $0x1  }
0x13: {  	[smem:$0x3FB6] =	sst s0;
	s0 =	simm.s32 @!p1 $0x0  }
0x14: {  	s2 =	sld [smem:$0x3F9A];
	s0 =	simm.s32 @p1 $0x1  }
0x15: {  	[smem:$0x3FB7] =	sst s0;
	s0 =	simm.s32 @!p2 $0x0  }
0x16: {  	s3 =	sld [smem:$0x3FDB];
	s0 =	simm.s32 @p2 $0x1  }
0x17: {  	s4 =	simm.s32 $0x1BF5;
	[smem:$0x3FB9] =	sst s0  }
0x18: {  	s0 =	sld [smem:$0x3F9C];
	_ =	swait.ge [sflag:s4], $0x0  }
0x19: {  	s7 =	sld [smem:$0x3F9D]  }
0x1a: {  	s8 =	sadd.s32 $0xFFFFE003, lr  }
0x1b: {  	s9 =	sadd.s32 $0xFFFFFEF7, lr;
	s5 =	simm.s32 $0xFFFFFFFF;
	p2 =	slt.u32 s8, $0xFFFFF086  }
0x1c: {  	p1 =	slt.u32 s9, $0xF7A;
	s5 =	simm.s32 @!p2 $0x0  }
0x1d: {  	s5 =	simm.s32 @p1 $0x1;
	p0 =	seq.s32 s7, s2  }
0x1e: {  	s7 =	smul.u32 @!p0 $0xF7A, s2;
	p2 =	seq.s32 @!p0 s5, $0x0  }
0x1f: {  	s9 =	smul.u32 $0xF7A, s1;
	s8 =	simm.s32 @!p0 $0x1BF5;
	p2 =	por !p2, p0  }
0x20: {  	[sflag:s8] =	ssyncset.s32 @!p0 $0xFFFFF086;
	s6 =	sadd.s32 @!p0 s3, s7;
	s7 =	simm.s32 @!p0 $0x108  }
0x21: {  	s3 =	sadd.s32 s3, s9;
	s6 =	sadd.s32 @!p0 $0x88, s6;
	s7 =	simm.s32 @p2 $0x1082  }
0x22: {  	[simem:s7], [sflag:s8] =	dma.local @!p0 [hbm:s6], $0xF7A  }
0x23: {  	s9 =	sor.u32 $0xD0000000, s2;
	s6 =	simm.s32 $0x108;
	_ =	swait.ge @!p0 [sflag:s8], $0x0  }
0x24: {  	s3 =	sadd.s32 $0x88, s3;
	s6 =	simm.s32 @!p1 $0x1082;
	[sflag:s4] =	ssyncset.s32 $0xFFFFF086  }
0x25: {  	[simem:s6], [sflag:s4] =	dma.local [hbm:s3], $0xF7A  }
0x26: {  	[smem:$0x3F9D] =	sst s1;
	(tag) =	ssettag s2;
	_ =	strace s9  }
0x27: {  	s1 =	sld [smem:$0x3FAD]  }
0x28: {  	s2 =	sld [smem:$0x3FAE]  }
0x29: {  	s4 =	sld [smem:$0x3FB0]  }
0x2a: {  	p0 =	seq.s32 s5, $0x0;
	s5 =	sld [smem:$0x3FB1]  }
0x2b: {  	s6 =	sld [smem:$0x3FB2]  }
0x2c: {  	s7 =	sld [smem:$0x3FB3]  }
0x2d: {  	s3 =	simm.s32 $0x108;
	s8 =	sld [smem:$0x3FB4]  }
0x2e: {  	s3 =	simm.s32 @!p0 $0x1082;
	s9 =	sld [smem:$0x3FB5]  }
0x2f: {  	lr =	sadd.s32 s0, s3;
	s0 =	sld [smem:$0x3FAC]  }
0x30: {  	s3 =	sld [smem:$0x3FAF]  }
0x31: {  	[smem:$0x3FB8] =	sst s10  }
0x32: {  	s10 =	sld [smem:$0x3FB6];
	_ =	sdelay $0x3  }
0x33: {  	p0 =	seq.s32 s10, $0x1;
	s10 =	sld [smem:$0x3FB8];
	_ =	sdelay $0x3  }
0x34: {  	[smem:$0x3FB8] =	sst s10  }
0x35: {  	s10 =	sld [smem:$0x3FB7];
	_ =	sdelay $0x3  }
0x36: {  	p1 =	seq.s32 s10, $0x1;
	s10 =	sld [smem:$0x3FB8];
	_ =	sdelay $0x3  }
0x37: {  	[smem:$0x3FB8] =	sst s10  }
0x38: {  	s10 =	sld [smem:$0x3FB9]  }
0x39: {  	_ = 	snop;
	(pc) =	sbr.ind lr, $3  }
0x3a: {  	_ = 	snop  }
0x3b: {  	_ = 	snop  }
0x3c: {  	p2 =	seq.s32 s10, $0x1;
	s10 =	sld [smem:$0x3FB8]  }
0x3d: {  	_ =	shalt  }
0x3e: {  	_ =	shalt  }
0x3f: {  	_ =	shalt  }
0x40: {  	_ =	shalt  }
0x41: {  	_ =	shalt  }
0x42: {  	_ =	shalt  }
0x43: {  	_ =	shalt  }
0x44: {  	_ =	shalt  }
0x45: {  	_ =	shalt  }
0x46: {  	_ =	shalt  }
0x47: {  	_ =	shalt  }
0x48: {  	_ =	shalt  }
0x49: {  	_ =	shalt  }
0x4a: {  	_ =	shalt  }
0x4b: {  	_ =	shalt  }
0x4c: {  	_ =	shalt  }
0x4d: {  	_ =	shalt  }
0x4e: {  	_ =	shalt  }
0x4f: {  	_ =	shalt  }
0x50: {  	_ =	shalt  }
0x51: {  	_ =	shalt  }
0x52: {  	_ =	shalt  }
0x53: {  	_ =	shalt  }
0x54: {  	_ =	shalt  }
0x55: {  	_ =	shalt  }
0x56: {  	_ =	shalt  }
0x57: {  	_ =	shalt  }
0x58: {  	_ =	shalt  }
0x59: {  	_ =	shalt  }
0x5a: {  	_ =	shalt  }
0x5b: {  	_ =	shalt  }
0x5c: {  	_ =	shalt  }
0x5d: {  	_ =	shalt  }
0x5e: {  	_ =	shalt  }
0x5f: {  	_ =	shalt  }
0x60: {  	_ =	shalt  }
0x61: {  	_ =	shalt  }
0x62: {  	_ =	shalt  }
0x63: {  	_ =	shalt  }
0x64: {  	_ =	shalt  }
0x65: {  	_ =	shalt  }
0x66: {  	_ =	shalt  }
0x67: {  	_ =	shalt  }
0x68: {  	_ =	shalt  }
0x69: {  	_ =	shalt  }
0x6a: {  	_ =	shalt  }
0x6b: {  	_ =	shalt  }
0x6c: {  	_ =	shalt  }
0x6d: {  	_ =	shalt  }
0x6e: {  	_ =	shalt  }
0x6f: {  	_ =	shalt  }
0x70: {  	_ =	shalt  }
0x71: {  	_ =	shalt  }
0x72: {  	_ =	shalt  }
0x73: {  	_ =	shalt  }
0x74: {  	_ =	shalt  }
0x75: {  	_ =	shalt  }
0x76: {  	_ =	shalt  }
0x77: {  	_ =	shalt  }
0x78: {  	_ =	shalt  }
0x79: {  	_ =	shalt  }
0x7a: {  	_ =	shalt  }
0x7b: {  	_ =	shalt  }
0x7c: {  	_ =	shalt  }
0x7d: {  	_ =	shalt  }
0x7e: {  	_ =	shalt  }
0x7f: {  	_ =	shalt  }
0x80: {  	_ =	shalt  }
0x81: {  	_ =	shalt  }
0x82: {  	_ =	shalt  }
0x83: {  	_ =	shalt  }
0x84: {  	_ =	shalt  }
0x85: {  	_ =	shalt  }
0x86: {  	_ =	shalt  }
0x87: {  	_ =	shalt  }
.Lfunc_end0:
.L_simem_size_0:
called_computation.1_lowered:
.L_overlay_start_0:
0x88: {  	s2 =	sld [smem:$0x3FD9]  }
0x89: {  	s3 =	sld [smem:$0x3FFE];
	_ =	sdelay $0x1  }
0x8a: {  	s1 =	srdreg.scid  }
0x8b: {  	s0 =	sand.u32 $0x1, s1  }
0x8c: {  	s17 =	sshll.u32 s0, $0xA;
	s2 =	sadd.s32 s3, s2  }
0x8d: {  	s2 =	sadd.s32 s2, s17  }
0x8e: {  	[smem:$0x3FC4] =	sst s2  }
0x8f: {  	_ = 	snop  }
0x90: {  	s2 =	sld [smem:$0x3FD0];
	(tm) =	ssettm $0x1  }
0x91: {  	s18 =	sld [smem:$0x3FFB];
	_ =	sdelay $0x3  }
0x92: {  	_ =	strace s18  }
0x93: {  	s3 =	sld [smem:$0x3FFC];
	_ =	sdelay $0x3  }
0x94: {  	_ =	strace s3  }
0x95: {  	s3 =	sld [smem:$0x3FFD];
	_ =	sdelay $0x3  }
0x96: {  	_ =	strace s3  }
0x97: {  	_ =	strace $0x8FFFFFFF  }
0x98: {  	s19 =	sld [smem:$0x3FDB];
	_ =	sdelay $0x1  }
0x99: {  	s4 =	simm.s32 $_scs_section_size  }
0x9a: {  	s5 =	simm.s32 $_size__tile_overlayer_lowered;
	s6 =	simm.s32 $_tile_overlayer_lowered  }
0x9b: {  	s22 =	simm.s32 $0x1BFF;
	s21 =	sshll.u32 s6, $0x1;
	s3 =	sadd.s32 s4, s19  }
0x9c: {  	s7 =	simm.s32 $0x0;
	s20 =	sshll.u32 s5, $0x1;
	s5 =	sadd.s32 s21, s3  }
0x9d: {  	[timem:s7], [sflag:s22] =	dma.local [hbm:s5], s20  }
0x9e: {  	_ =	swait.ge [sflag:s22], s20  }
0x9f: {  	s4 =	ssub.s32 $0x0, s20;
	[sflag:s22] =	ssyncset.done $0x0  }
0xa0: {  	[sflag:s22] =	ssyncadd.s32 s4;
	_ =	sdelay $0x1  }
0xa1: {  	s23 =	simm.s32 $0x1B8B  }
0xa2: {  	_ =	swait.ge [sflag:s23], $0x1  }
0xa3: {  	[sflag:s23] =	ssyncset.done $0x0  }
0xa4: {  	s25 =	simm.s32 $0x1B8E;
	s24 =	sld [smem:$0x3FFE];
	[sflag:s23] =	ssyncadd.s32 $0xFFFFFFFF  }
0xa5: {  	s26 =	simm.s32 $execute0_lowered;
	[smem:$0x3FD2] =	sst s25  }
0xa6: {  	s5 =	sshll.u32 s26, $0x1;
	_ =	strace $0x80000049;
	[dreg:$0x1] =	wrdreg $0xFFFFFFFF  }
0xa7: {  	s28 =	simm.s32 $_size_execute0_lowered;
	s3 =	sadd.s32 s3, s5;
	[dreg:$0x0] =	wrdreg $0x0  }
0xa8: {  	s5 =	sshll.u32 s28, $0x1;
	[dreg:$0x2] =	wrdreg s3  }
0xa9: {  	[dreg:$0x3] =	wrdreg s5  }
0xaa: {  	[dreg:$0x4] =	wrdreg $0xC0  }
0xab: {  	_ =	task [dreg:s7], $0x5FFFF  }
0xac: {  	[dreg:$0x1] =	wrdreg $0xFFFFFFFF  }
0xad: {  	[dreg:$0x0] =	wrdreg $0x60  }
0xae: {  	[dreg:$0x2] =	wrdreg s2  }
0xaf: {  	[dreg:$0x3] =	wrdreg s24  }
0xb0: {  	[dreg:$0x4] =	wrdreg $0x0  }
0xb1: {  	[dreg:$0x5] =	wrdreg $0x138800  }
0xb2: {  	[dreg:$0x6] =	wrdreg $0x9  }
0xb3: {  	_ =	task.clear_ibuf [dreg:s7], $0x7FFFF;
	_ =	strace $0x90000049  }
0xb4: {  	s29 =	simm.s32 $0x9;
	_ =	strace $0x8000004B  }
0xb5: {  	_ =	swait.ge [sflag:s29], $0x1  }
0xb6: {  	[sflag:s29] =	ssyncadd.s32 $0xFFFFFFFF  }
0xb7: {  	_ =	strace $0x9000004B  }
0xb8: {  	_ =	sfence  }
0xb9: {  	s30 =	sld [smem:$0x0];
	_ =	sdelay $0x2  }
0xba: {  	s31 =	sshll.u32 s1, $0xD;
	s1 =	sshrl.u32 s1, $0x2  }
0xbb: {  	s3 =	sand.u32 $0x4000, s31;
	s1 =	sadd.s32 s1, s30  }
0xbc: {  	s0 =	sor.u32 s3, s0;
	s1 =	sshll.u32 s1, $0x11  }
0xbd: {  	s0 =	sor.u32 s1, s0  }
0xbe: {  	s0 =	sadd.s32 $0x8F2B, s0  }
0xbf: {  	[sflag:s0] =	ssyncadd.remote.s32 $0x1  }
0xc0: {  	_ =	sfence.sel $0xFFFF  }
0xc1: {  	[dreg:$0x0] =	wrdreg $0xFFFFFFFF;
	(pc) =	sbr.abs _section_cstart, $3  }
0xc2: {  	[dreg:$0x1] =	wrdreg $0xFFFFFFFF  }
0xc3: {  	_ =	task.clear_ibuf [dreg:s7], $0x2FFFF;
	_ =	strace $0x9FFFFFFF  }
0xc4: {  	(tm) =	ssettm $0x7FFFFFFF  }
0xc5: {  	_ =	shalt  }
tec
execute0_lowered:
.L_overlay_start_1:
0x0: {  	(tag) =	ssettag $0x1  }
0x1: {  	s0 =	rddreg [dreg:$0x0]  }
0x2: {  	s1 =	rddreg [dreg:$0x1]  }
0x3: {  	s2 =	rddreg [dreg:$0x2]  }
0x4: {  	s3 =	rddreg [dreg:$0x3];
	s15 =	stileid.u32  }
0x5: {  	s4 =	simm.s32 $0x0;
	s7 =	srdreg.scid;
	s5 =	smul.u32 $0x1400, s15  }
0x6: {  	s28 =	simm.s32 $0x2;
	s29 =	simm.s32 $0x1DA40;
	s8 =	smul.u32 $0x4F000, s15  }
0x7: {  	s30 =	simm.s32 $0x1D740;
	s31 =	simm.s32 $0x1DAC0;
	s10 =	smul.u32 $0x2780, s15  }
0x8: {  	[smem:$0x7FF] =	sst s4;
	s9 =	sadd.s32 $0x2AA00, s1;
	s12 =	smul.u32 $0x28000, s15  }
0x9: {  	s7 =	sand.u32 $0x1, s7;
	s26 =	smul.u32 $0xA000, s15;
	s17 =	sadd.s32 $0x25080, s0  }
0xa: {  	s18 =	sadd.s32 $0x96000, s3;
	p0 =	seq.s32 s15, $0xF;
	s14 =	smul.u32 $0x13880, s7  }
0xb: {  	_ =	strace $0x8000004A;
	s25 =	smul.u32 $0x9C400, s7;
	[dreg:$0xa] =	wrdreg s17  }
0xc: {  	s11 =	ssub.s32 $0x2, s7;
	s16 =	smul.u32 $0x9D400, s7;
	[dreg:$0xb] =	wrdreg s18  }
0xd: {  	s7 =	smul.u32 $0x140000, s7;
	s18 =	simm.s32 $0x1D5C0;
	s6 =	sadd.s32 s5, s1  }
0xe: {  	s1 =	sadd.s32 $0x7AA00, s1;
	s13 =	sshrl.u32 s11, $0x1;
	s8 =	sshrl.u32 s8, $0x2  }
0xf: {  	s10 =	sadd.s32 s0, s10;
	s24 =	sshrl.u32 s12, $0x2;
	s11 =	ssub.s32 s11, s13  }
0x10: {  	s8 =	sadd.s32 s8, s2;
	[dreg:$0x7] =	wrdreg s10;
	s5 =	sadd.s32 s5, s14  }
0x11: {  	s10 =	sadd.s32 s24, s3;
	s12 =	sshrl.u32 s25, $0x3;
	s19 =	sadd.s32 s26, s16  }
0x12: {  	s13 =	sshrl.u32 s16, $0x3;
	s23 =	sadd.s32 s26, s7;
	s25 =	sadd.s32 $0x2A00, s6  }
0x13: {  	s26 =	sadd.s32 $0x16A00, s6;
	s6 =	simm.s32 $0x1DBC0;
	s7 =	simm.s32 $0x1D8C0  }
0x14: {  	s16 =	simm.s32 $0x0;
	[dreg:$0x8] =	wrdreg s10;
	s5 =	sadd.s32 s0, s5  }
0x15: {  	s10 =	sadd.s32 $0x128400, s2;
	s0 =	sadd.s32 s0, s12;
	s20 =	sshrl.u32 s19, $0x3  }
0x16: {  	s21 =	sadd.s32 s1, s13;
	s24 =	smax.u32 s11, $0x1;
	[dreg:$0x5] =	wrdreg s25  }
0x17: {  	[dreg:$0x6] =	wrdreg s26;
	s19 =	simm.s32 $0x3;
	s25 =	simm.s32 $0x1  }
0x18: {  	s26 =	simm.s32 $0x1D6C0;
	s11 =	simm.s32 $0x1DD40;
	[dreg:$0x9] =	wrdreg s5  }
0x19: {  	s0 =	sadd.s32 $0x12C00, s0;
	s22 =	sadd.s32 $0x12C00, s21;
	[dreg:$0xf] =	wrdreg s24  }
0x1a: {  	s5 =	sshrl.u32 s23, $0x3;
	s21 =	simm.s32 $0x20;
	[dreg:$0xc] =	wrdreg s0  }
0x1b: {  	s24 =	simm.s32 $0x1EDC0;
	s0 =	sadd.s32 s1, s20;
	[dreg:$0xe] =	wrdreg s22  }
0x1c: {  	s14 =	sadd.s32 s5, s9;
	s20 =	simm.s32 $0x1D9C0;
	s22 =	simm.s32 $0x1DDC0  }
0x1d: {  	s1 =	simm.s32 $0x1DB40;
	[dreg:$0xd] =	wrdreg s0;
	s0 =	sadd.s32 $0xA0000, s23  }
0x1e: {  	s5 =	simm.s32 $0x1D840;
	s23 =	simm.s32 $0x1D640;
	s0 =	sshrl.u32 s0, $0x3  }
0x1f: {  	s15 =	sadd.s32 s0, s9;
	s0 =	sshrl.u32 @p0 s10, $0x3;
	s9 =	simm.s32 $0x1D940  }
0x20: {  	s10 =	simm.s32 $0x1DCC0;
	[dreg:$0x10] =	wrdreg s0;
	s0 =	sshrl.u32 @!p0 s8, $0x3  }
0x21: {  	s8 =	simm.s32 $0x1DC40;
	[dreg:$0x11] =	wrdreg s0;
	s0 =	simm.s32 $0x1D7C0  }
.LBB2_1:
0x22: {  	[dreg:$0x12] =	wrdreg s16  }
0x23: {  	s12 =	rddreg [dreg:$0xa]  }
0x24: {  	s13 =	simm.s32 @p0 $0x1FC3;
	s16 =	rddreg [dreg:$0x10]  }
0x25: {  	[spmem:s16], [sflag:s13] =	dma.local @p0 [hbm:s12], $0x2080  }
0x26: {  	s16 =	simm.s32 @p0 $0x3  }
0x27: {  	_ =	swait.ge @p0 [sflag:s16], $0x2080  }
0x28: {  	s12 =	rddreg [dreg:$0xb]  }
0x29: {  	[sflag:s16] =	ssyncset.done @p0 $0x0;
	s17 =	sshrl.u32 @p0 s12, $0x3;
	s12 =	rddreg [dreg:$0xc]  }
0x2a: {  	[sflag:s16] =	ssyncadd.s32 @p0 $0xFFFFDF80;
	[dreg:$0x13] =	wrdreg s17  }
0x2b: {  	[spmem:s17], [sflag:s13] =	dma.local @p0 [hbm:s12], $0xC80  }
0x2c: {  	s12 =	stileid.u32;
	_ =	swait.ge @p0 [sflag:s16], $0xC80  }
0x2d: {  	s13 =	sshll.u32 @!p0 s12, $0x6;
	[sflag:s16] =	ssyncset.done @p0 $0x0;
	s12 =	rddreg [dreg:$0x7]  }
0x2e: {  	[sflag:s16] =	ssyncadd.s32 @p0 $0xFFFFF380;
	s16 =	sor.u32 @!p0 $0x1C03, s13;
	s13 =	rddreg [dreg:$0x11]  }
0x2f: {  	[spmem:s13], [sflag:s16] =	dma.local @!p0 [hbm:s12], $0x2780  }
0x30: {  	s13 =	simm.s32 @!p0 $0x3  }
0x31: {  	_ =	swait.ge @!p0 [sflag:s13], $0x2780;
	[dreg:$0x14] =	wrdreg s16  }
0x32: {  	s12 =	rddreg [dreg:$0x8]  }
0x33: {  	[sflag:s13] =	ssyncset.done @!p0 $0x0;
	s17 =	sshrl.u32 @!p0 s12, $0x3;
	s12 =	rddreg [dreg:$0x9]  }
0x34: {  	[sflag:s13] =	ssyncadd.s32 @!p0 $0xFFFFD880;
	[dreg:$0x15] =	wrdreg s17  }
0x35: {  	[spmem:s17], [sflag:s16] =	dma.local @!p0 [hbm:s12], $0x1400  }
0x36: {  	_ =	swait.ge @!p0 [sflag:s13], $0x1400  }
0x37: {  	[sflag:s13] =	ssyncset.done @!p0 $0x0  }
0x38: {  	[sflag:s13] =	ssyncadd.s32 @!p0 $0xFFFFEC00  }
0x39: {  	[bflag:$0x0] =	sbarrier.arrive $0xFFFF  }
0x3a: {  	s16 =	rddreg [dreg:$0x5]  }
0x3b: {  	s13 =	sadd.s32 $0x0, s16  }
0x3c: {  	[tilespmem:s18], [sflag:$0x3] =	stream.linear.gather [hbm4b:s13+s4], $0x400, $0x38;
	[tilespmem:$0x1FDC0] =	vst v63  }
0x3d: {  	_ =	swait.ge [sflag:s19], $0x400  }
0x3e: {  	[sflag:s19] =	ssyncset.done $0x0  }
0x3f: {  	s17 =	sadd.s32 $0x0, s14;
	[sflag:s19] =	ssyncadd.s32 $0xFFFFFC00  }
0x40: {  	[tilespmem:s20], [sflag:$0x3] =	stream.linear.gather [hbm4b:s17+s4], $0x400, $0x38;
	[tilespmem:$0x1FDC0] =	vst v63  }
0x41: {  	_ =	swait.ge [sflag:s19], $0x400  }
0x42: {  	[sflag:s19] =	ssyncset.done $0x0  }
0x43: {  	[sflag:s19] =	ssyncadd.s32 $0xFFFFFC00  }
0x44: {  	[tilespmem:s22], [sflag:$0x1] =	stream.indirect.gather [spmem:s2], $0x80, s18, s21, $0xb8;
	[tilespmem:$0x1FDC0] =	vst v63  }
0x45: {  	_ = 	snop  }
0x46: {  	[tilespmem:s24], [sflag:$0x2] =	stream.indirect.gather [spmem:s2], $0x80, s23, s21, $0xb8;
	[tilespmem:$0x1FDC0] =	vst v63  }
0x47: {  	_ =	swait.ge [sflag:s25], $0x1000  }
0x48: {  	[sflag:s25] =	ssyncset.done $0x0  }
0x49: {  	[sflag:s25] =	ssyncadd.s32 $0xFFFFF000  }
0x4a: {  	[spmem:s3] =	stream.indirect.scatter.add.f32 [tilespmem:s22], [sflag:$0x3], $0x80, s20, s21, $0xb8;
	[tilespmem:$0x1FDC0] =	vst v63  }
0x4b: {  	_ =	swait.ge [sflag:s19], $0x1000  }
0x4c: {  	[sflag:s19] =	ssyncset.done $0x0  }
0x4d: {  	[sflag:s19] =	ssyncadd.s32 $0xFFFFF000  }
0x4e: {  	[tilespmem:s22], [sflag:$0x1] =	stream.indirect.gather [spmem:s2], $0x80, s26, s21, $0xb8;
	[tilespmem:$0x1FDC0] =	vst v63  }
0x4f: {  	_ =	swait.ge [sflag:s28], $0x1000  }
0x50: {  	[sflag:s28] =	ssyncset.done $0x0  }
0x51: {  	[sflag:s28] =	ssyncadd.s32 $0xFFFFF000  }
0x52: {  	[spmem:s3] =	stream.indirect.scatter.add.f32 [tilespmem:s24], [sflag:$0x3], $0x80, s29, s21, $0xb8;
	[tilespmem:$0x1FDC0] =	vst v63  }
0x53: {  	_ =	swait.ge [sflag:s19], $0x1000  }
0x54: {  	[sflag:s19] =	ssyncset.done $0x0  }
0x55: {  	[sflag:s19] =	ssyncadd.s32 $0xFFFFF000  }
0x56: {  	[tilespmem:s24], [sflag:$0x2] =	stream.indirect.gather [spmem:s2], $0x80, s30, s21, $0xb8;
	[tilespmem:$0x1FDC0] =	vst v63  }
0x57: {  	_ =	swait.ge [sflag:s25], $0x1000  }
0x58: {  	[sflag:s25] =	ssyncset.done $0x0  }
0x59: {  	[sflag:s25] =	ssyncadd.s32 $0xFFFFF000  }
0x5a: {  	[spmem:s3] =	stream.indirect.scatter.add.f32 [tilespmem:s22], [sflag:$0x3], $0x80, s31, s21, $0xb8;
	[tilespmem:$0x1FDC0] =	vst v63  }
0x5b: {  	_ =	swait.ge [sflag:s19], $0x1000  }
0x5c: {  	[sflag:s19] =	ssyncset.done $0x0  }
0x5d: {  	[sflag:s19] =	ssyncadd.s32 $0xFFFFF000  }
0x5e: {  	[tilespmem:s22], [sflag:$0x1] =	stream.indirect.gather [spmem:s2], $0x80, s0, s21, $0xb8;
	[tilespmem:$0x1FDC0] =	vst v63  }
0x5f: {  	_ =	swait.ge [sflag:s28], $0x1000  }
0x60: {  	[sflag:s28] =	ssyncset.done $0x0  }
0x61: {  	[sflag:s28] =	ssyncadd.s32 $0xFFFFF000  }
0x62: {  	[spmem:s3] =	stream.indirect.scatter.add.f32 [tilespmem:s24], [sflag:$0x3], $0x80, s1, s21, $0xb8;
	[tilespmem:$0x1FDC0] =	vst v63  }
0x63: {  	_ =	swait.ge [sflag:s19], $0x1000  }
0x64: {  	[sflag:s19] =	ssyncset.done $0x0  }
0x65: {  	[sflag:s19] =	ssyncadd.s32 $0xFFFFF000  }
0x66: {  	[tilespmem:s24], [sflag:$0x2] =	stream.indirect.gather [spmem:s2], $0x80, s5, s21, $0xb8;
	[tilespmem:$0x1FDC0] =	vst v63  }
0x67: {  	_ =	swait.ge [sflag:s25], $0x1000  }
0x68: {  	[sflag:s25] =	ssyncset.done $0x0  }
0x69: {  	[sflag:s25] =	ssyncadd.s32 $0xFFFFF000  }
0x6a: {  	[spmem:s3] =	stream.indirect.scatter.add.f32 [tilespmem:s22], [sflag:$0x3], $0x80, s6, s21, $0xb8;
	[tilespmem:$0x1FDC0] =	vst v63  }
0x6b: {  	_ =	swait.ge [sflag:s19], $0x1000  }
0x6c: {  	[sflag:s19] =	ssyncset.done $0x0  }
0x6d: {  	[sflag:s19] =	ssyncadd.s32 $0xFFFFF000  }
0x6e: {  	[tilespmem:s22], [sflag:$0x1] =	stream.indirect.gather [spmem:s2], $0x80, s7, s21, $0xb8;
	[tilespmem:$0x1FDC0] =	vst v63  }
0x6f: {  	_ =	swait.ge [sflag:s28], $0x1000  }
0x70: {  	[sflag:s28] =	ssyncset.done $0x0  }
0x71: {  	[sflag:s28] =	ssyncadd.s32 $0xFFFFF000  }
0x72: {  	[spmem:s3] =	stream.indirect.scatter.add.f32 [tilespmem:s24], [sflag:$0x3], $0x80, s8, s21, $0xb8;
	[tilespmem:$0x1FDC0] =	vst v63  }
0x73: {  	_ =	swait.ge [sflag:s19], $0x1000  }
0x74: {  	[sflag:s19] =	ssyncset.done $0x0  }
0x75: {  	[sflag:s19] =	ssyncadd.s32 $0xFFFFF000  }
0x76: {  	[tilespmem:s24], [sflag:$0x2] =	stream.indirect.gather [spmem:s2], $0x80, s9, s21, $0xb8;
	[tilespmem:$0x1FDC0] =	vst v63  }
0x77: {  	_ =	swait.ge [sflag:s25], $0x1000  }
0x78: {  	[sflag:s25] =	ssyncset.done $0x0  }
0x79: {  	[sflag:s25] =	ssyncadd.s32 $0xFFFFF000  }
0x7a: {  	[spmem:s3] =	stream.indirect.scatter.add.f32 [tilespmem:s22], [sflag:$0x3], $0x80, s10, s21, $0xb8;
	[tilespmem:$0x1FDC0] =	vst v63  }
0x7b: {  	_ =	swait.ge [sflag:s19], $0x1000  }
0x7c: {  	[sflag:s19] =	ssyncset.done $0x0  }
0x7d: {  	[sflag:s19] =	ssyncadd.s32 $0xFFFFF000  }
0x7e: {  	_ =	swait.ge [sflag:s28], $0x1000  }
0x7f: {  	[sflag:s28] =	ssyncset.done $0x0  }
0x80: {  	[sflag:s28] =	ssyncadd.s32 $0xFFFFF000  }
0x81: {  	[spmem:s3] =	stream.indirect.scatter.add.f32 [tilespmem:s24], [sflag:$0x3], $0x80, s11, s21, $0xb8;
	[tilespmem:$0x1FDC0] =	vst v63  }
0x82: {  	s13 =	simm.s32 $0x80;
	_ =	swait.ge [sflag:s19], $0x1000  }
.LBB2_2:
0x83: {  	s17 =	rddreg [dreg:$0x5];
	s16 =	smov.u32 s13;
	[sflag:s19] =	ssyncset.done $0x0  }
0x84: {  	s12 =	simm.s32 $0x0;
	s17 =	sadd.s32 s16, s17;
	[sflag:s19] =	ssyncadd.s32 $0xFFFFF000  }
0x85: {  	[tilespmem:s18], [sflag:$0x3] =	stream.linear.gather [hbm4b:s17+s12], $0x400, $0x38;
	[tilespmem:$0x1FDC0] =	vst v63  }
0x86: {  	_ =	swait.ge [sflag:s19], $0x400  }
0x87: {  	[sflag:s19] =	ssyncset.done $0x0  }
0x88: {  	s16 =	sadd.s32 s16, s14;
	[sflag:s19] =	ssyncadd.s32 $0xFFFFFC00  }
0x89: {  	[tilespmem:s20], [sflag:$0x3] =	stream.linear.gather [hbm4b:s16+s12], $0x400, $0x38;
	[tilespmem:$0x1FDC0] =	vst v63  }
0x8a: {  	_ =	swait.ge [sflag:s19], $0x400  }
0x8b: {  	[sflag:s19] =	ssyncset.done $0x0  }
0x8c: {  	[sflag:s19] =	ssyncadd.s32 $0xFFFFFC00  }
0x8d: {  	[tilespmem:s22], [sflag:$0x1] =	stream.indirect.gather [spmem:s2], $0x80, s18, s21, $0xb8;
	[tilespmem:$0x1FDC0] =	vst v63  }
0x8e: {  	_ = 	snop  }
0x8f: {  	[tilespmem:s24], [sflag:$0x2] =	stream.indirect.gather [spmem:s2], $0x80, s23, s21, $0xb8;
	[tilespmem:$0x1FDC0] =	vst v63  }
0x90: {  	_ =	swait.ge [sflag:s25], $0x1000  }
0x91: {  	[sflag:s25] =	ssyncset.done $0x0  }
0x92: {  	[sflag:s25] =	ssyncadd.s32 $0xFFFFF000  }
0x93: {  	[spmem:s3] =	stream.indirect.scatter.add.f32 [tilespmem:s22], [sflag:$0x3], $0x80, s20, s21, $0xb8;
	[tilespmem:$0x1FDC0] =	vst v63  }
0x94: {  	_ =	swait.ge [sflag:s19], $0x1000  }
0x95: {  	[sflag:s19] =	ssyncset.done $0x0  }
0x96: {  	[sflag:s19] =	ssyncadd.s32 $0xFFFFF000  }
0x97: {  	[tilespmem:s22], [sflag:$0x1] =	stream.indirect.gather [spmem:s2], $0x80, s26, s21, $0xb8;
	[tilespmem:$0x1FDC0] =	vst v63  }
0x98: {  	_ =	swait.ge [sflag:s28], $0x1000  }
0x99: {  	[sflag:s28] =	ssyncset.done $0x0  }
0x9a: {  	[sflag:s28] =	ssyncadd.s32 $0xFFFFF000  }
0x9b: {  	[spmem:s3] =	stream.indirect.scatter.add.f32 [tilespmem:s24], [sflag:$0x3], $0x80, s29, s21, $0xb8;
	[tilespmem:$0x1FDC0] =	vst v63  }
0x9c: {  	_ =	swait.ge [sflag:s19], $0x1000  }
0x9d: {  	[sflag:s19] =	ssyncset.done $0x0  }
0x9e: {  	[sflag:s19] =	ssyncadd.s32 $0xFFFFF000  }
0x9f: {  	[tilespmem:s24], [sflag:$0x2] =	stream.indirect.gather [spmem:s2], $0x80, s30, s21, $0xb8;
	[tilespmem:$0x1FDC0] =	vst v63  }
0xa0: {  	_ =	swait.ge [sflag:s25], $0x1000  }
0xa1: {  	[sflag:s25] =	ssyncset.done $0x0  }
0xa2: {  	[sflag:s25] =	ssyncadd.s32 $0xFFFFF000  }
0xa3: {  	[spmem:s3] =	stream.indirect.scatter.add.f32 [tilespmem:s22], [sflag:$0x3], $0x80, s31, s21, $0xb8;
	[tilespmem:$0x1FDC0] =	vst v63  }
0xa4: {  	_ =	swait.ge [sflag:s19], $0x1000  }
0xa5: {  	[sflag:s19] =	ssyncset.done $0x0  }
0xa6: {  	[sflag:s19] =	ssyncadd.s32 $0xFFFFF000  }
0xa7: {  	[tilespmem:s22], [sflag:$0x1] =	stream.indirect.gather [spmem:s2], $0x80, s0, s21, $0xb8;
	[tilespmem:$0x1FDC0] =	vst v63  }
0xa8: {  	_ =	swait.ge [sflag:s28], $0x1000  }
0xa9: {  	[sflag:s28] =	ssyncset.done $0x0  }
0xaa: {  	[sflag:s28] =	ssyncadd.s32 $0xFFFFF000  }
0xab: {  	[spmem:s3] =	stream.indirect.scatter.add.f32 [tilespmem:s24], [sflag:$0x3], $0x80, s1, s21, $0xb8;
	[tilespmem:$0x1FDC0] =	vst v63  }
0xac: {  	_ =	swait.ge [sflag:s19], $0x1000  }
0xad: {  	[sflag:s19] =	ssyncset.done $0x0  }
0xae: {  	[sflag:s19] =	ssyncadd.s32 $0xFFFFF000  }
0xaf: {  	[tilespmem:s24], [sflag:$0x2] =	stream.indirect.gather [spmem:s2], $0x80, s5, s21, $0xb8;
	[tilespmem:$0x1FDC0] =	vst v63  }
0xb0: {  	_ =	swait.ge [sflag:s25], $0x1000  }
0xb1: {  	[sflag:s25] =	ssyncset.done $0x0  }
0xb2: {  	[sflag:s25] =	ssyncadd.s32 $0xFFFFF000  }
0xb3: {  	[spmem:s3] =	stream.indirect.scatter.add.f32 [tilespmem:s22], [sflag:$0x3], $0x80, s6, s21, $0xb8;
	[tilespmem:$0x1FDC0] =	vst v63  }
0xb4: {  	_ =	swait.ge [sflag:s19], $0x1000  }
0xb5: {  	[sflag:s19] =	ssyncset.done $0x0  }
0xb6: {  	[sflag:s19] =	ssyncadd.s32 $0xFFFFF000  }
0xb7: {  	[tilespmem:s22], [sflag:$0x1] =	stream.indirect.gather [spmem:s2], $0x80, s7, s21, $0xb8;
	[tilespmem:$0x1FDC0] =	vst v63  }
0xb8: {  	_ =	swait.ge [sflag:s28], $0x1000  }
0xb9: {  	[sflag:s28] =	ssyncset.done $0x0  }
0xba: {  	[sflag:s28] =	ssyncadd.s32 $0xFFFFF000  }
0xbb: {  	[spmem:s3] =	stream.indirect.scatter.add.f32 [tilespmem:s24], [sflag:$0x3], $0x80, s8, s21, $0xb8;
	[tilespmem:$0x1FDC0] =	vst v63  }
0xbc: {  	_ =	swait.ge [sflag:s19], $0x1000  }
0xbd: {  	[sflag:s19] =	ssyncset.done $0x0  }
0xbe: {  	[sflag:s19] =	ssyncadd.s32 $0xFFFFF000  }
0xbf: {  	[tilespmem:s24], [sflag:$0x2] =	stream.indirect.gather [spmem:s2], $0x80, s9, s21, $0xb8;
	[tilespmem:$0x1FDC0] =	vst v63  }
0xc0: {  	_ =	swait.ge [sflag:s25], $0x1000  }
0xc1: {  	[sflag:s25] =	ssyncset.done $0x0  }
0xc2: {  	[sflag:s25] =	ssyncadd.s32 $0xFFFFF000  }
0xc3: {  	[spmem:s3] =	stream.indirect.scatter.add.f32 [tilespmem:s22], [sflag:$0x3], $0x80, s10, s21, $0xb8;
	[tilespmem:$0x1FDC0] =	vst v63  }
0xc4: {  	_ =	swait.ge [sflag:s19], $0x1000  }
0xc5: {  	[sflag:s19] =	ssyncset.done $0x0  }
0xc6: {  	p1 =	sne.s32 s13, $0x1380;
	[sflag:s19] =	ssyncadd.s32 $0xFFFFF000  }
.Ltmp0:
0xc7: {  	_ =	swait.ge [sflag:s28], $0x1000;
	(pc) =	sbr.rel @p1 .LBB2_2-.Ltmp0, $4  }
0xc8: {  	[sflag:s28] =	ssyncset.done $0x0  }
0xc9: {  	[sflag:s28] =	ssyncadd.s32 $0xFFFFF000  }
0xca: {  	[spmem:s3] =	stream.indirect.scatter.add.f32 [tilespmem:s24], [sflag:$0x3], $0x80, s11, s21, $0xb8;
	[tilespmem:$0x1FDC0] =	vst v63  }
0xcb: {  	s13 =	sadd.s32 $0x80, s13;
	_ =	swait.ge [sflag:s19], $0x1000  }
0xcc: {  	s12 =	rddreg [dreg:$0x6];
	[sflag:s19] =	ssyncset.done $0x0  }
0xcd: {  	[sflag:s19] =	ssyncadd.s32 $0xFFFFF000;
	s12 =	sadd.s32 $0x0, s12  }
0xce: {  	[tilespmem:s18], [sflag:$0x3] =	stream.linear.gather [hbm4b:s12+s4], $0x400, $0x38;
	[tilespmem:$0x1FDC0] =	vst v63  }
0xcf: {  	_ =	swait.ge [sflag:s19], $0x400  }
0xd0: {  	[sflag:s19] =	ssyncset.done $0x0  }
0xd1: {  	s17 =	sadd.s32 $0x0, s15;
	[sflag:s19] =	ssyncadd.s32 $0xFFFFFC00  }
0xd2: {  	[tilespmem:s20], [sflag:$0x3] =	stream.linear.gather [hbm4b:s17+s4], $0x400, $0x38;
	[tilespmem:$0x1FDC0] =	vst v63  }
0xd3: {  	_ =	swait.ge [sflag:s19], $0x400  }
0xd4: {  	[sflag:s19] =	ssyncset.done $0x0  }
0xd5: {  	[sflag:s19] =	ssyncadd.s32 $0xFFFFFC00  }
0xd6: {  	[tilespmem:s22], [sflag:$0x1] =	stream.indirect.gather [spmem:s2], $0x80, s18, s21, $0xb8;
	[tilespmem:$0x1FDC0] =	vst v63  }
0xd7: {  	_ = 	snop  }
0xd8: {  	[tilespmem:s24], [sflag:$0x2] =	stream.indirect.gather [spmem:s2], $0x80, s23, s21, $0xb8;
	[tilespmem:$0x1FDC0] =	vst v63  }
0xd9: {  	_ =	swait.ge [sflag:s25], $0x1000  }
0xda: {  	[sflag:s25] =	ssyncset.done $0x0  }
0xdb: {  	[sflag:s25] =	ssyncadd.s32 $0xFFFFF000  }
0xdc: {  	[spmem:s3] =	stream.indirect.scatter.add.f32 [tilespmem:s22], [sflag:$0x3], $0x80, s20, s21, $0xb8;
	[tilespmem:$0x1FDC0] =	vst v63  }
0xdd: {  	_ =	swait.ge [sflag:s19], $0x1000  }
0xde: {  	[sflag:s19] =	ssyncset.done $0x0  }
0xdf: {  	[sflag:s19] =	ssyncadd.s32 $0xFFFFF000  }
0xe0: {  	[tilespmem:s22], [sflag:$0x1] =	stream.indirect.gather [spmem:s2], $0x80, s26, s21, $0xb8;
	[tilespmem:$0x1FDC0] =	vst v63  }
0xe1: {  	_ =	swait.ge [sflag:s28], $0x1000  }
0xe2: {  	[sflag:s28] =	ssyncset.done $0x0  }
0xe3: {  	[sflag:s28] =	ssyncadd.s32 $0xFFFFF000  }
0xe4: {  	[spmem:s3] =	stream.indirect.scatter.add.f32 [tilespmem:s24], [sflag:$0x3], $0x80, s29, s21, $0xb8;
	[tilespmem:$0x1FDC0] =	vst v63  }
0xe5: {  	_ =	swait.ge [sflag:s19], $0x1000  }
0xe6: {  	[sflag:s19] =	ssyncset.done $0x0  }
0xe7: {  	[sflag:s19] =	ssyncadd.s32 $0xFFFFF000  }
0xe8: {  	[tilespmem:s24], [sflag:$0x2] =	stream.indirect.gather [spmem:s2], $0x80, s30, s21, $0xb8;
	[tilespmem:$0x1FDC0] =	vst v63  }
0xe9: {  	_ =	swait.ge [sflag:s25], $0x1000  }
0xea: {  	[sflag:s25] =	ssyncset.done $0x0  }
0xeb: {  	[sflag:s25] =	ssyncadd.s32 $0xFFFFF000  }
0xec: {  	[spmem:s3] =	stream.indirect.scatter.add.f32 [tilespmem:s22], [sflag:$0x3], $0x80, s31, s21, $0xb8;
	[tilespmem:$0x1FDC0] =	vst v63  }
0xed: {  	_ =	swait.ge [sflag:s19], $0x1000  }
0xee: {  	[sflag:s19] =	ssyncset.done $0x0  }
0xef: {  	[sflag:s19] =	ssyncadd.s32 $0xFFFFF000  }
0xf0: {  	[tilespmem:s22], [sflag:$0x1] =	stream.indirect.gather [spmem:s2], $0x80, s0, s21, $0xb8;
	[tilespmem:$0x1FDC0] =	vst v63  }
0xf1: {  	_ =	swait.ge [sflag:s28], $0x1000  }
0xf2: {  	[sflag:s28] =	ssyncset.done $0x0  }
0xf3: {  	[sflag:s28] =	ssyncadd.s32 $0xFFFFF000  }
0xf4: {  	[spmem:s3] =	stream.indirect.scatter.add.f32 [tilespmem:s24], [sflag:$0x3], $0x80, s1, s21, $0xb8;
	[tilespmem:$0x1FDC0] =	vst v63  }
0xf5: {  	_ =	swait.ge [sflag:s19], $0x1000  }
0xf6: {  	[sflag:s19] =	ssyncset.done $0x0  }
0xf7: {  	[sflag:s19] =	ssyncadd.s32 $0xFFFFF000  }
0xf8: {  	[tilespmem:s24], [sflag:$0x2] =	stream.indirect.gather [spmem:s2], $0x80, s5, s21, $0xb8;
	[tilespmem:$0x1FDC0] =	vst v63  }
0xf9: {  	_ =	swait.ge [sflag:s25], $0x1000  }
0xfa: {  	[sflag:s25] =	ssyncset.done $0x0  }
0xfb: {  	[sflag:s25] =	ssyncadd.s32 $0xFFFFF000  }
0xfc: {  	[spmem:s3] =	stream.indirect.scatter.add.f32 [tilespmem:s22], [sflag:$0x3], $0x80, s6, s21, $0xb8;
	[tilespmem:$0x1FDC0] =	vst v63  }
0xfd: {  	_ =	swait.ge [sflag:s19], $0x1000  }
0xfe: {  	[sflag:s19] =	ssyncset.done $0x0  }
0xff: {  	[sflag:s19] =	ssyncadd.s32 $0xFFFFF000  }
0x100: {  	[tilespmem:s22], [sflag:$0x1] =	stream.indirect.gather [spmem:s2], $0x80, s7, s21, $0xb8;
	[tilespmem:$0x1FDC0] =	vst v63  }
0x101: {  	_ =	swait.ge [sflag:s28], $0x1000  }
0x102: {  	[sflag:s28] =	ssyncset.done $0x0  }
0x103: {  	[sflag:s28] =	ssyncadd.s32 $0xFFFFF000  }
0x104: {  	[spmem:s3] =	stream.indirect.scatter.add.f32 [tilespmem:s24], [sflag:$0x3], $0x80, s8, s21, $0xb8;
	[tilespmem:$0x1FDC0] =	vst v63  }
0x105: {  	_ =	swait.ge [sflag:s19], $0x1000  }
0x106: {  	[sflag:s19] =	ssyncset.done $0x0  }
0x107: {  	[sflag:s19] =	ssyncadd.s32 $0xFFFFF000  }
0x108: {  	[tilespmem:s24], [sflag:$0x2] =	stream.indirect.gather [spmem:s2], $0x80, s9, s21, $0xb8;
	[tilespmem:$0x1FDC0] =	vst v63  }
0x109: {  	_ =	swait.ge [sflag:s25], $0x1000  }
0x10a: {  	[sflag:s25] =	ssyncset.done $0x0  }
0x10b: {  	[sflag:s25] =	ssyncadd.s32 $0xFFFFF000  }
0x10c: {  	[spmem:s3] =	stream.indirect.scatter.add.f32 [tilespmem:s22], [sflag:$0x3], $0x80, s10, s21, $0xb8;
	[tilespmem:$0x1FDC0] =	vst v63  }
0x10d: {  	_ =	swait.ge [sflag:s19], $0x1000  }
0x10e: {  	[sflag:s19] =	ssyncset.done $0x0  }
0x10f: {  	[sflag:s19] =	ssyncadd.s32 $0xFFFFF000  }
0x110: {  	_ =	swait.ge [sflag:s28], $0x1000  }
0x111: {  	[sflag:s28] =	ssyncset.done $0x0  }
0x112: {  	[sflag:s28] =	ssyncadd.s32 $0xFFFFF000  }
0x113: {  	[spmem:s3] =	stream.indirect.scatter.add.f32 [tilespmem:s24], [sflag:$0x3], $0x80, s11, s21, $0xb8;
	[tilespmem:$0x1FDC0] =	vst v63  }
0x114: {  	s13 =	simm.s32 $0x80;
	_ =	swait.ge [sflag:s19], $0x1000  }
.LBB2_4:
0x115: {  	s12 =	rddreg [dreg:$0x6];
	s16 =	smov.u32 s13;
	[sflag:s19] =	ssyncset.done $0x0  }
0x116: {  	s12 =	sadd.s32 s16, s12;
	[sflag:s19] =	ssyncadd.s32 $0xFFFFF000  }
0x117: {  	[tilespmem:s18], [sflag:$0x3] =	stream.linear.gather [hbm4b:s12+s4], $0x400, $0x38;
	[tilespmem:$0x1FDC0] =	vst v63  }
0x118: {  	_ =	swait.ge [sflag:s19], $0x400  }
0x119: {  	[sflag:s19] =	ssyncset.done $0x0  }
0x11a: {  	s17 =	sadd.s32 s16, s15;
	[sflag:s19] =	ssyncadd.s32 $0xFFFFFC00  }
0x11b: {  	[tilespmem:s20], [sflag:$0x3] =	stream.linear.gather [hbm4b:s17+s4], $0x400, $0x38;
	[tilespmem:$0x1FDC0] =	vst v63  }
0x11c: {  	_ =	swait.ge [sflag:s19], $0x400  }
0x11d: {  	[sflag:s19] =	ssyncset.done $0x0  }
0x11e: {  	[sflag:s19] =	ssyncadd.s32 $0xFFFFFC00  }
0x11f: {  	[tilespmem:s22], [sflag:$0x1] =	stream.indirect.gather [spmem:s2], $0x80, s18, s21, $0xb8;
	[tilespmem:$0x1FDC0] =	vst v63  }
0x120: {  	_ = 	snop  }
0x121: {  	[tilespmem:s24], [sflag:$0x2] =	stream.indirect.gather [spmem:s2], $0x80, s23, s21, $0xb8;
	[tilespmem:$0x1FDC0] =	vst v63  }
0x122: {  	_ =	swait.ge [sflag:s25], $0x1000  }
0x123: {  	[sflag:s25] =	ssyncset.done $0x0  }
0x124: {  	[sflag:s25] =	ssyncadd.s32 $0xFFFFF000  }
0x125: {  	[spmem:s3] =	stream.indirect.scatter.add.f32 [tilespmem:s22], [sflag:$0x3], $0x80, s20, s21, $0xb8;
	[tilespmem:$0x1FDC0] =	vst v63  }
0x126: {  	_ =	swait.ge [sflag:s19], $0x1000  }
0x127: {  	[sflag:s19] =	ssyncset.done $0x0  }
0x128: {  	[sflag:s19] =	ssyncadd.s32 $0xFFFFF000  }
0x129: {  	[tilespmem:s22], [sflag:$0x1] =	stream.indirect.gather [spmem:s2], $0x80, s26, s21, $0xb8;
	[tilespmem:$0x1FDC0] =	vst v63  }
0x12a: {  	_ =	swait.ge [sflag:s28], $0x1000  }
0x12b: {  	[sflag:s28] =	ssyncset.done $0x0  }
0x12c: {  	[sflag:s28] =	ssyncadd.s32 $0xFFFFF000  }
0x12d: {  	[spmem:s3] =	stream.indirect.scatter.add.f32 [tilespmem:s24], [sflag:$0x3], $0x80, s29, s21, $0xb8;
	[tilespmem:$0x1FDC0] =	vst v63  }
0x12e: {  	_ =	swait.ge [sflag:s19], $0x1000  }
0x12f: {  	[sflag:s19] =	ssyncset.done $0x0  }
0x130: {  	[sflag:s19] =	ssyncadd.s32 $0xFFFFF000  }
0x131: {  	[tilespmem:s24], [sflag:$0x2] =	stream.indirect.gather [spmem:s2], $0x80, s30, s21, $0xb8;
	[tilespmem:$0x1FDC0] =	vst v63  }
0x132: {  	_ =	swait.ge [sflag:s25], $0x1000  }
0x133: {  	[sflag:s25] =	ssyncset.done $0x0  }
0x134: {  	[sflag:s25] =	ssyncadd.s32 $0xFFFFF000  }
0x135: {  	[spmem:s3] =	stream.indirect.scatter.add.f32 [tilespmem:s22], [sflag:$0x3], $0x80, s31, s21, $0xb8;
	[tilespmem:$0x1FDC0] =	vst v63  }
0x136: {  	_ =	swait.ge [sflag:s19], $0x1000  }
0x137: {  	[sflag:s19] =	ssyncset.done $0x0  }
0x138: {  	[sflag:s19] =	ssyncadd.s32 $0xFFFFF000  }
0x139: {  	[tilespmem:s22], [sflag:$0x1] =	stream.indirect.gather [spmem:s2], $0x80, s0, s21, $0xb8;
	[tilespmem:$0x1FDC0] =	vst v63  }
0x13a: {  	_ =	swait.ge [sflag:s28], $0x1000  }
0x13b: {  	[sflag:s28] =	ssyncset.done $0x0  }
0x13c: {  	[sflag:s28] =	ssyncadd.s32 $0xFFFFF000  }
0x13d: {  	[spmem:s3] =	stream.indirect.scatter.add.f32 [tilespmem:s24], [sflag:$0x3], $0x80, s1, s21, $0xb8;
	[tilespmem:$0x1FDC0] =	vst v63  }
0x13e: {  	_ =	swait.ge [sflag:s19], $0x1000  }
0x13f: {  	[sflag:s19] =	ssyncset.done $0x0  }
0x140: {  	[sflag:s19] =	ssyncadd.s32 $0xFFFFF000  }
0x141: {  	[tilespmem:s24], [sflag:$0x2] =	stream.indirect.gather [spmem:s2], $0x80, s5, s21, $0xb8;
	[tilespmem:$0x1FDC0] =	vst v63  }
0x142: {  	_ =	swait.ge [sflag:s25], $0x1000  }
0x143: {  	[sflag:s25] =	ssyncset.done $0x0  }
0x144: {  	[sflag:s25] =	ssyncadd.s32 $0xFFFFF000  }
0x145: {  	[spmem:s3] =	stream.indirect.scatter.add.f32 [tilespmem:s22], [sflag:$0x3], $0x80, s6, s21, $0xb8;
	[tilespmem:$0x1FDC0] =	vst v63  }
0x146: {  	_ =	swait.ge [sflag:s19], $0x1000  }
0x147: {  	[sflag:s19] =	ssyncset.done $0x0  }
0x148: {  	[sflag:s19] =	ssyncadd.s32 $0xFFFFF000  }
0x149: {  	[tilespmem:s22], [sflag:$0x1] =	stream.indirect.gather [spmem:s2], $0x80, s7, s21, $0xb8;
	[tilespmem:$0x1FDC0] =	vst v63  }
0x14a: {  	_ =	swait.ge [sflag:s28], $0x1000  }
0x14b: {  	[sflag:s28] =	ssyncset.done $0x0  }
0x14c: {  	[sflag:s28] =	ssyncadd.s32 $0xFFFFF000  }
0x14d: {  	[spmem:s3] =	stream.indirect.scatter.add.f32 [tilespmem:s24], [sflag:$0x3], $0x80, s8, s21, $0xb8;
	[tilespmem:$0x1FDC0] =	vst v63  }
0x14e: {  	_ =	swait.ge [sflag:s19], $0x1000  }
0x14f: {  	[sflag:s19] =	ssyncset.done $0x0  }
0x150: {  	[sflag:s19] =	ssyncadd.s32 $0xFFFFF000  }
0x151: {  	[tilespmem:s24], [sflag:$0x2] =	stream.indirect.gather [spmem:s2], $0x80, s9, s21, $0xb8;
	[tilespmem:$0x1FDC0] =	vst v63  }
0x152: {  	_ =	swait.ge [sflag:s25], $0x1000  }
0x153: {  	[sflag:s25] =	ssyncset.done $0x0  }
0x154: {  	[sflag:s25] =	ssyncadd.s32 $0xFFFFF000  }
0x155: {  	[spmem:s3] =	stream.indirect.scatter.add.f32 [tilespmem:s22], [sflag:$0x3], $0x80, s10, s21, $0xb8;
	[tilespmem:$0x1FDC0] =	vst v63  }
0x156: {  	_ =	swait.ge [sflag:s19], $0x1000  }
0x157: {  	[sflag:s19] =	ssyncset.done $0x0  }
0x158: {  	p1 =	sne.s32 s13, $0x1380;
	[sflag:s19] =	ssyncadd.s32 $0xFFFFF000  }
.Ltmp1:
0x159: {  	_ =	swait.ge [sflag:s28], $0x1000;
	(pc) =	sbr.rel @p1 .LBB2_4-.Ltmp1, $4  }
0x15a: {  	[sflag:s28] =	ssyncset.done $0x0  }
0x15b: {  	[sflag:s28] =	ssyncadd.s32 $0xFFFFF000  }
0x15c: {  	[spmem:s3] =	stream.indirect.scatter.add.f32 [tilespmem:s24], [sflag:$0x3], $0x80, s11, s21, $0xb8;
	[tilespmem:$0x1FDC0] =	vst v63  }
0x15d: {  	s13 =	sadd.s32 $0x80, s13;
	_ =	swait.ge [sflag:s19], $0x1000  }
0x15e: {  	[sflag:s19] =	ssyncset.done $0x0  }
0x15f: {  	[sflag:s19] =	ssyncadd.s32 $0xFFFFF000  }
0x160: {  	[bflag:$0x0] =	sbarrier.arrive $0xFFFF  }
0x161: {  	s13 =	rddreg [dreg:$0xe]  }
0x162: {  	s12 =	simm.s32 @p0 $0x1FC3;
	s16 =	rddreg [dreg:$0x13]  }
0x163: {  	[hbm:s13], [sflag:s12] =	dma.local @p0 [spmem:s16], $0xE80  }
0x164: {  	s12 =	simm.s32 @p0 $0x3  }
0x165: {  	_ =	swait.ge @p0 [sflag:s12], $0xE80  }
0x166: {  	s13 =	rddreg [dreg:$0x14]  }
0x167: {  	[sflag:s12] =	ssyncset.done @p0 $0x0;
	s16 =	rddreg [dreg:$0x15]  }
0x168: {  	[sflag:s12] =	ssyncadd.s32 @p0 $0xFFFFF180;
	s12 =	rddreg [dreg:$0xd]  }
0x169: {  	[hbm:s12], [sflag:s13] =	dma.local @!p0 [spmem:s16], $0x1400  }
0x16a: {  	s12 =	simm.s32 @!p0 $0x3  }
0x16b: {  	_ =	swait.ge @!p0 [sflag:s12], $0x1400  }
0x16c: {  	s13 =	rddreg [dreg:$0x12]  }
0x16d: {  	s17 =	rddreg [dreg:$0xf];
	s16 =	sadd.s32 $0x1, s13  }
0x16e: {  	p1 =	sne.s32 s16, s17  }
.Ltmp2:
0x16f: {  	_ = 	snop;
	(pc) =	sbr.rel @p1 .LBB2_1-.Ltmp2, $3  }
0x170: {  	_ =	sdelay $0x1  }
0x171: {  	[sflag:s12] =	ssyncset.done @!p0 $0x0  }
0x172: {  	[sflag:s12] =	ssyncadd.s32 @!p0 $0xFFFFEC00  }
0x173: {  	_ =	sfence.sel $0x180000  }
0x174: {  	[bflag:$0x0] =	sbarrier.arrive $0xFFFF  }
0x175: {  	_ =	strace $0x9000004A  }
0x176: {  	s0 =	stileid.u32;
	[bflag:$0x2] =	sbarrier.arrive $0xFFFF  }
0x177: {  	p0 =	sne.s32 s0, $0x0;
	s0 =	rddreg [dreg:$0x4]  }
0x178: {  	s0 =	sadd.s32 @!p0 $0x100000, s0  }
0x179: {  	[sflag:s0] =	ssyncadd.tile.s32 @!p0 $0x1;
	_ =	shalt  }
.Lfunc_end2:
_tile_overlayer_lowered:
.L_overlay_start_2:
0x17a: {  	(tag) =	ssettag $0x2  }
0x17b: {  	s0 =	rddreg [dreg:$0x0];
	s2 =	stileid.u32  }
0x17c: {  	s1 =	rddreg [dreg:$0x1];
	p0 =	sne.s32 s2, $0x0  }
0x17d: {  	s3 =	rddreg [dreg:$0x2];
	[bflag:$0x3] =	sbarrier.arrive $0xFFFF;
	s2 =	simm.s32 @!p0 $0x1C03  }
0x17e: {  	[timem:s3], [sflag:s2] =	dma.local @!p0 [hbm:s0], s1  }
0x17f: {  	s0 =	simm.s32 @!p0 $0x3  }
0x180: {  	_ =	swait.ge @!p0 [sflag:s0], s1  }
0x181: {  	s1 =	ssub.s32 @!p0 $0x0, s1;
	[sflag:s0] =	ssyncset.done @!p0 $0x0  }
0x182: {  	[sflag:s0] =	ssyncadd.s32 @!p0 s1  }
0x183: {  	[bflag:$0x3] =	sbarrier.arrive $0xFFFF  }
0x184: {  	_ =	shalt  }

</sc_bundles>
